<compile_context>
chip_gen: v7x
topology: tpu7x:2x2x1
jax: 0.10.2.dev20260603
libtpu: 0.0.44.dev20260713+nightly
codegen_flags: <defaults>
</compile_context>

<pallas_src>
import functools

import jax
import jax.numpy as jnp
from jax import lax
from jax.experimental import pallas as pl
from jax.experimental.pallas import tpu as pltpu
from jax.experimental.pallas import tpu_sc as plsc

_B = 16384
_LSEQ = 200
_V = 1000
_D = 16
_NOUT = 3

_NC = 2
_NS = 16
_NW = _NC * _NS
_RPW = _B // _NW
_CSEQ = 40
_NCHUNK = _LSEQ // _CSEQ
_NGROUP = _RPW // 16
_UNROLL = 8


def _tab_kernel(emb_ref, w_ref, b_ref, out_ref):
    t = lax.dot_general(
        w_ref[...], emb_ref[...], (((1,), (1,)), ((), ())),
        preferred_element_type=jnp.float32,
    ) * (1.0 / _LSEQ) + b_ref[...] * (1.0 / _LSEQ)
    b0 = lax.bitcast_convert_type(
        t[0:1, :].astype(jnp.bfloat16), jnp.uint16).astype(jnp.uint32)
    b1 = lax.bitcast_convert_type(
        t[1:2, :].astype(jnp.bfloat16), jnp.uint16).astype(jnp.uint32)
    packed = lax.bitcast_convert_type(b0 | (b1 << 16), jnp.float32)
    out_ref[0:1, :] = packed
    out_ref[1:2, :] = t[2:3, :]


_sc_mesh = plsc.VectorSubcoreMesh(core_axis_name="c", subcore_axis_name="s")


@functools.partial(
    pl.kernel,
    mesh=_sc_mesh,
    out_type=jax.ShapeDtypeStruct((_NOUT, _B), jnp.float32),
    scratch_types=[
        pltpu.VMEM((2 * _V,), jnp.float32),
        pltpu.VMEM((_CSEQ, _RPW), jnp.int32),
        pltpu.VMEM((_CSEQ, _RPW), jnp.int32),
        pltpu.VMEM((_NOUT, _RPW), jnp.float32),
        pltpu.SemaphoreType.DMA,
        pltpu.SemaphoreType.DMA,
    ],
    compiler_params=pltpu.CompilerParams(needs_layout_passes=False),
)
def _sc_pool(xt_hbm, tab_hbm, out_hbm, tab_v, x_v0, x_v1, out_v, sem0, sem1):
    wid = lax.axis_index("s") * _NC + lax.axis_index("c")
    row0 = wid * _RPW
    pltpu.sync_copy(tab_hbm, tab_v)

    bufs = (x_v0, x_v1)
    sems = (sem0, sem1)
    copies = [None, None]

    def start_chunk(c):
        b = c % 2
        copies[b] = pltpu.async_copy(
            xt_hbm.at[pl.ds(c * _CSEQ, _CSEQ), pl.ds(row0, _RPW)],
            bufs[b], sems[b])

    start_chunk(0)

    off2 = jnp.full((16,), _V, dtype=jnp.int32)
    himask = jnp.full((16,), -65536, dtype=jnp.int32)
    fzero = jnp.zeros((16,), jnp.float32)

    for c in range(_NCHUNK):
        copies[c % 2].wait()
        if c + 1 < _NCHUNK:
            start_chunk(c + 1)
        x_v = bufs[c % 2]

        def group_body(g, carry, x_v=x_v, c=c):
            gbase = g * 16

            @plsc.parallel_loop(0, _CSEQ, unroll=_UNROLL,
                                carry=(fzero, fzero, fzero))
            def l_body(l, accs):
                a0, a1, a2 = accs
                xi = x_v[l, pl.ds(gbase, 16)]
                gp = plsc.bitcast(plsc.load_gather(tab_v, [xi]), jnp.int32)
                a0 = a0 + plsc.bitcast(gp << 16, jnp.float32)
                a1 = a1 + plsc.bitcast(gp & himask, jnp.float32)
                a2 = a2 + plsc.load_gather(tab_v, [xi + off2])
                return (a0, a1, a2)

            a0, a1, a2 = l_body
            if c == 0:
                out_v[0, pl.ds(gbase, 16)] = a0
                out_v[1, pl.ds(gbase, 16)] = a1
                out_v[2, pl.ds(gbase, 16)] = a2
            else:
                out_v[0, pl.ds(gbase, 16)] = out_v[0, pl.ds(gbase, 16)] + a0
                out_v[1, pl.ds(gbase, 16)] = out_v[1, pl.ds(gbase, 16)] + a1
                out_v[2, pl.ds(gbase, 16)] = out_v[2, pl.ds(gbase, 16)] + a2
            return carry

        lax.fori_loop(0, _NGROUP, group_body, 0)

    pltpu.sync_copy(out_v, out_hbm.at[:, pl.ds(row0, _RPW)])


def kernel(x, emb_table, fc_w, fc_b):
    tab = pl.pallas_call(
        _tab_kernel,
        out_shape=jax.ShapeDtypeStruct((2, _V), jnp.float32),
    )(emb_table, fc_w, fc_b[:, None])
    out3 = _sc_pool(x.T, tab.reshape(2 * _V))
    return out3.T

# --- scband reference (transcript-rebuilt; emitter-appended) ---
"""Pipeline reference for scband-intent-model-18854906429954 (READ-ONLY COPY).

The authoritative reference and input builder live on the scoring server;
editing this copy changes nothing except your own understanding.
"""

import jax, jax.numpy as jnp
import numpy as np


def setup_inputs(seed: int = 0) -> dict:
    key = jax.random.key(seed)
    k1, k2, k3, k4 = jax.random.split(key, 4)
    x = jax.random.randint(k1, (16384, 200), 0, 1000, dtype=jnp.int64 if jax.config.jax_enable_x64 else jnp.int32)
    emb_table = jax.random.normal(k2, (1000, 16), dtype=jnp.float32)
    fc_w = jax.random.normal(k3, (3, 16), dtype=jnp.float32) * 0.1
    fc_b = jax.random.normal(k4, (3,), dtype=jnp.float32) * 0.01
    return {"x": x, "emb_table": emb_table, "fc_w": fc_w, "fc_b": fc_b}


def reference(x, emb_table, fc_w, fc_b):
    # nn.Embedding lookup: [B, L] -> [B, L, D]
    e = jnp.take(emb_table, x, axis=0)
    # mean over sequence dim
    m = jnp.mean(e, axis=1)
    # nn.Linear: y = m @ W^T + b
    return m @ fc_w.T + fc_b

if __name__ == "__main__":
    import jax
    _d = setup_inputs()
    print(jax.jit(kernel)(*tuple(_d.values())))

</pallas_src>

<mosaic_0001>
#map = affine_map<(d0, d1) -> (0, 0)>
#map1 = affine_map<(d0, d1) -> (0)>
module attributes {stable_mosaic.version = 14 : i64} {
  func.func @_sc_pool(%arg0: i32, %arg1: i32, %arg2: memref<200x16384xi32, #tpu.memory_space<hbm>>, %arg3: memref<2000xf32, #tpu.memory_space<hbm>>, %arg4: memref<3x16384xf32, #tpu.memory_space<hbm>>, %arg5: memref<2000xf32, #tpu.memory_space<vmem>>, %arg6: memref<40x512xi32, #tpu.memory_space<vmem>>, %arg7: memref<40x512xi32, #tpu.memory_space<vmem>>, %arg8: memref<3x512xf32, #tpu.memory_space<vmem>>, %arg9: memref<!tpu.dma_semaphore, #tpu.memory_space<semaphore_mem>>, %arg10: memref<!tpu.dma_semaphore, #tpu.memory_space<semaphore_mem>>) attributes {dimension_semantics = [#tpu.dimension_semantics<core_parallel>, #tpu.dimension_semantics<subcore_parallel>], iteration_bounds = array<i64: 2, 16>, scalar_prefetch = 0 : i64, scratch_operands = 6 : i64, tpu.core_type = #tpu.core_type<sc_vector_subcore>, window_params = [{transform_indices = #map}, {transform_indices = #map1}, {transform_indices = #map}]} {
    %mul3A = arith.constant 2 : i32
    %mul3A_0 = arith.muli %arg1, %mul3A : i32
    %add3A = arith.addi %mul3A_0, %arg0 : i32
    %mul3A_1 = arith.constant 512 : i32
    %mul3A_2 = arith.muli %add3A, %mul3A_1 : i32
    "tpu.region"() ({
      %run_scoped3A = tpu.sem_alloc : memref<!tpu.dma_semaphore, #tpu.memory_space<semaphore_mem>>
      tpu.enqueue_dma source(%arg3 : memref<2000xf32, #tpu.memory_space<hbm>>) target(%arg5 : memref<2000xf32, #tpu.memory_space<vmem>>) target_semaphore(%run_scoped3A : memref<!tpu.dma_semaphore, #tpu.memory_space<semaphore_mem>>)
      tpu.wait_dma2 semaphore(%run_scoped3A : memref<!tpu.dma_semaphore, #tpu.memory_space<semaphore_mem>>) src(%arg3 : memref<2000xf32, #tpu.memory_space<hbm>>) dst(%arg5 : memref<2000xf32, #tpu.memory_space<vmem>>)
      tpu.yield
    }) : () -> ()
    %dma_start3A = arith.constant 0 : i32
    %dma_start3A_3 = tpu.memref_slice %arg2[%dma_start3A, %mul3A_2] : memref<200x16384xi32, #tpu.memory_space<hbm>> -> memref<40x512xi32, #tpu.memory_space<hbm>>
    %dma_start3A_4 = arith.constant 0 : i32
    %dma_start3A_5 = tpu.memref_slice %arg2[%dma_start3A_4, %mul3A_2] : memref<200x16384xi32, #tpu.memory_space<hbm>> -> memref<40x512xi32, #tpu.memory_space<hbm>>
    tpu.enqueue_dma source(%dma_start3A_5 : memref<40x512xi32, #tpu.memory_space<hbm>>) target(%arg6 : memref<40x512xi32, #tpu.memory_space<vmem>>) target_semaphore(%arg9 : memref<!tpu.dma_semaphore, #tpu.memory_space<semaphore_mem>>)
    %broadcast_in_dim3A = arith.constant 1000 : i32
    %broadcast_in_dim3A_6 = vector.broadcast %broadcast_in_dim3A : i32 to vector<16xi32>
    %broadcast_in_dim3A_7 = arith.constant -65536 : i32
    %broadcast_in_dim3A_8 = vector.broadcast %broadcast_in_dim3A_7 : i32 to vector<16xi32>
    %broadcast_in_dim3A_9 = arith.constant 0.000000e+00 : f32
    %broadcast_in_dim3A_10 = vector.broadcast %broadcast_in_dim3A_9 : f32 to vector<16xf32>
    %dma_wait3A = arith.constant 0 : i32
    %dma_wait3A_11 = tpu.memref_slice %arg2[%dma_wait3A, %mul3A_2] : memref<200x16384xi32, #tpu.memory_space<hbm>> -> memref<40x512xi32, #tpu.memory_space<hbm>>
    %dma_wait3A_12 = arith.constant 0 : i32
    %dma_wait3A_13 = tpu.memref_slice %arg2[%dma_wait3A_12, %mul3A_2] : memref<200x16384xi32, #tpu.memory_space<hbm>> -> memref<40x512xi32, #tpu.memory_space<hbm>>
    tpu.wait_dma2 semaphore(%arg9 : memref<!tpu.dma_semaphore, #tpu.memory_space<semaphore_mem>>) src(%dma_wait3A_13 : memref<40x512xi32, #tpu.memory_space<hbm>>) dst(%arg6 : memref<40x512xi32, #tpu.memory_space<vmem>>)
    %dma_start3A_14 = arith.constant 40 : i32
    %dma_start3A_15 = tpu.memref_slice %arg2[%dma_start3A_14, %mul3A_2] : memref<200x16384xi32, #tpu.memory_space<hbm>> -> memref<40x512xi32, #tpu.memory_space<hbm>>
    %dma_start3A_16 = arith.constant 40 : i32
    %dma_start3A_17 = tpu.memref_slice %arg2[%dma_start3A_16, %mul3A_2] : memref<200x16384xi32, #tpu.memory_space<hbm>> -> memref<40x512xi32, #tpu.memory_space<hbm>>
    tpu.enqueue_dma source(%dma_start3A_17 : memref<40x512xi32, #tpu.memory_space<hbm>>) target(%arg7 : memref<40x512xi32, #tpu.memory_space<vmem>>) target_semaphore(%arg10 : memref<!tpu.dma_semaphore, #tpu.memory_space<semaphore_mem>>)
    %scan3A = arith.constant 0 : i32
    %scan3A_18 = arith.constant 0 : i32
    %scan3A_19 = arith.constant 32 : i32
    %scan3A_20 = arith.addi %scan3A_18, %scan3A_19 : i32
    %scan3A_21 = arith.constant 1 : i32
    scf.for %scan3A_75 = %scan3A_18 to %scan3A_20 step %scan3A_21  : i32 {
      %mul3A_76 = arith.constant 16 : i32
      %mul3A_77 = arith.muli %scan3A_75, %mul3A_76 : i32
      %parallel_loop3A = arith.constant 0 : i32
      %parallel_loop3A_78 = arith.constant 40 : i32
      %parallel_loop3A_79 = arith.constant 1 : i32
      %parallel_loop3A_80:3 = scf.for %parallel_loop3A_92 = %parallel_loop3A to %parallel_loop3A_78 step %parallel_loop3A_79 iter_args(%parallel_loop3A_93 = %broadcast_in_dim3A_10, %parallel_loop3A_94 = %broadcast_in_dim3A_10, %parallel_loop3A_95 = %broadcast_in_dim3A_10) -> (vector<16xf32>, vector<16xf32>, vector<16xf32>)  : i32 {
        %parallel_loop3A_96 = arith.index_cast %parallel_loop3A_92 : i32 to index
        %parallel_loop3A_97 = arith.index_cast %mul3A_77 : i32 to index
        %parallel_loop3A_98 = tpu.vector_load %arg6[%parallel_loop3A_96, %parallel_loop3A_97] {strides = array<i32>} : memref<40x512xi32, #tpu.memory_space<vmem>>, vector<16xi32>,
        %parallel_loop3A_99 = tpu.vector_load_idx %arg5[%parallel_loop3A_98] : memref<2000xf32, #tpu.memory_space<vmem>>[vector<16xi32>], vector<16xf32>,
        %parallel_loop3A_100 = vector.bitcast %parallel_loop3A_99 : vector<16xf32> to vector<16xi32>
        %parallel_loop3A_101 = arith.constant 16 : i32
        %parallel_loop3A_102 = vector.broadcast %parallel_loop3A_101 : i32 to vector<16xi32>
        %parallel_loop3A_103 = arith.shli %parallel_loop3A_100, %parallel_loop3A_102 : vector<16xi32>
        %parallel_loop3A_104 = vector.bitcast %parallel_loop3A_103 : vector<16xi32> to vector<16xf32>
        %parallel_loop3A_105 = arith.addf %parallel_loop3A_93, %parallel_loop3A_104 : vector<16xf32>
        %parallel_loop3A_106 = arith.andi %parallel_loop3A_100, %broadcast_in_dim3A_8 : vector<16xi32>
        %parallel_loop3A_107 = vector.bitcast %parallel_loop3A_106 : vector<16xi32> to vector<16xf32>
        %parallel_loop3A_108 = arith.addf %parallel_loop3A_94, %parallel_loop3A_107 : vector<16xf32>
        %parallel_loop3A_109 = arith.addi %parallel_loop3A_98, %broadcast_in_dim3A_6 : vector<16xi32>
        %parallel_loop3A_110 = tpu.vector_load_idx %arg5[%parallel_loop3A_109] : memref<2000xf32, #tpu.memory_space<vmem>>[vector<16xi32>], vector<16xf32>,
        %parallel_loop3A_111 = arith.addf %parallel_loop3A_95, %parallel_loop3A_110 : vector<16xf32>
        scf.yield %parallel_loop3A_105, %parallel_loop3A_108, %parallel_loop3A_111 : vector<16xf32>, vector<16xf32>, vector<16xf32>
      } {sc.loop_unroll_factor = 8 : i64, sc.parallel_access}
      %swap3A = arith.constant 0 : i32
      %swap3A_81 = arith.index_cast %swap3A : i32 to index
      %swap3A_82 = arith.index_cast %mul3A_77 : i32 to index
      %swap3A_83 = tpu.vector_load %arg8[%swap3A_81, %swap3A_82] {strides = array<i32>} : memref<3x512xf32, #tpu.memory_space<vmem>>, vector<16xf32>,
      tpu.vector_store %arg8[%swap3A_81, %swap3A_82], %parallel_loop3A_80#0 {strides = array<i32>} : memref<3x512xf32, #tpu.memory_space<vmem>>, vector<16xf32>,
      %swap3A_84 = arith.constant 1 : i32
      %swap3A_85 = arith.index_cast %swap3A_84 : i32 to index
      %swap3A_86 = arith.index_cast %mul3A_77 : i32 to index
      %swap3A_87 = tpu.vector_load %arg8[%swap3A_85, %swap3A_86] {strides = array<i32>} : memref<3x512xf32, #tpu.memory_space<vmem>>, vector<16xf32>,
      tpu.vector_store %arg8[%swap3A_85, %swap3A_86], %parallel_loop3A_80#1 {strides = array<i32>} : memref<3x512xf32, #tpu.memory_space<vmem>>, vector<16xf32>,
      %swap3A_88 = arith.constant 2 : i32
      %swap3A_89 = arith.index_cast %swap3A_88 : i32 to index
      %swap3A_90 = arith.index_cast %mul3A_77 : i32 to index
      %swap3A_91 = tpu.vector_load %arg8[%swap3A_89, %swap3A_90] {strides = array<i32>} : memref<3x512xf32, #tpu.memory_space<vmem>>, vector<16xf32>,
      tpu.vector_store %arg8[%swap3A_89, %swap3A_90], %parallel_loop3A_80#2 {strides = array<i32>} : memref<3x512xf32, #tpu.memory_space<vmem>>, vector<16xf32>,
    }
    %scan3A_22 = arith.constant 32 : i32
    %dma_wait3A_23 = arith.constant 40 : i32
    %dma_wait3A_24 = tpu.memref_slice %arg2[%dma_wait3A_23, %mul3A_2] : memref<200x16384xi32, #tpu.memory_space<hbm>> -> memref<40x512xi32, #tpu.memory_space<hbm>>
    %dma_wait3A_25 = arith.constant 40 : i32
    %dma_wait3A_26 = tpu.memref_slice %arg2[%dma_wait3A_25, %mul3A_2] : memref<200x16384xi32, #tpu.memory_space<hbm>> -> memref<40x512xi32, #tpu.memory_space<hbm>>
    tpu.wait_dma2 semaphore(%arg10 : memref<!tpu.dma_semaphore, #tpu.memory_space<semaphore_mem>>) src(%dma_wait3A_26 : memref<40x512xi32, #tpu.memory_space<hbm>>) dst(%arg7 : memref<40x512xi32, #tpu.memory_space<vmem>>)
    %dma_start3A_27 = arith.constant 80 : i32
    %dma_start3A_28 = tpu.memref_slice %arg2[%dma_start3A_27, %mul3A_2] : memref<200x16384xi32, #tpu.memory_space<hbm>> -> memref<40x512xi32, #tpu.memory_space<hbm>>
    %dma_start3A_29 = arith.constant 80 : i32
    %dma_start3A_30 = tpu.memref_slice %arg2[%dma_start3A_29, %mul3A_2] : memref<200x16384xi32, #tpu.memory_space<hbm>> -> memref<40x512xi32, #tpu.memory_space<hbm>>
    tpu.enqueue_dma source(%dma_start3A_30 : memref<40x512xi32, #tpu.memory_space<hbm>>) target(%arg6 : memref<40x512xi32, #tpu.memory_space<vmem>>) target_semaphore(%arg9 : memref<!tpu.dma_semaphore, #tpu.memory_space<semaphore_mem>>)
    %scan3A_31 = arith.constant 0 : i32
    %scan3A_32 = arith.constant 0 : i32
    %scan3A_33 = arith.constant 32 : i32
    %scan3A_34 = arith.addi %scan3A_32, %scan3A_33 : i32
    %scan3A_35 = arith.constant 1 : i32
    scf.for %scan3A_75 = %scan3A_32 to %scan3A_34 step %scan3A_35  : i32 {
      %mul3A_76 = arith.constant 16 : i32
      %mul3A_77 = arith.muli %scan3A_75, %mul3A_76 : i32
      %parallel_loop3A = arith.constant 0 : i32
      %parallel_loop3A_78 = arith.constant 40 : i32
      %parallel_loop3A_79 = arith.constant 1 : i32
      %parallel_loop3A_80:3 = scf.for %parallel_loop3A_106 = %parallel_loop3A to %parallel_loop3A_78 step %parallel_loop3A_79 iter_args(%parallel_loop3A_107 = %broadcast_in_dim3A_10, %parallel_loop3A_108 = %broadcast_in_dim3A_10, %parallel_loop3A_109 = %broadcast_in_dim3A_10) -> (vector<16xf32>, vector<16xf32>, vector<16xf32>)  : i32 {
        %parallel_loop3A_110 = arith.index_cast %parallel_loop3A_106 : i32 to index
        %parallel_loop3A_111 = arith.index_cast %mul3A_77 : i32 to index
        %parallel_loop3A_112 = tpu.vector_load %arg7[%parallel_loop3A_110, %parallel_loop3A_111] {strides = array<i32>} : memref<40x512xi32, #tpu.memory_space<vmem>>, vector<16xi32>,
        %parallel_loop3A_113 = tpu.vector_load_idx %arg5[%parallel_loop3A_112] : memref<2000xf32, #tpu.memory_space<vmem>>[vector<16xi32>], vector<16xf32>,
        %parallel_loop3A_114 = vector.bitcast %parallel_loop3A_113 : vector<16xf32> to vector<16xi32>
        %parallel_loop3A_115 = arith.constant 16 : i32
        %parallel_loop3A_116 = vector.broadcast %parallel_loop3A_115 : i32 to vector<16xi32>
        %parallel_loop3A_117 = arith.shli %parallel_loop3A_114, %parallel_loop3A_116 : vector<16xi32>
        %parallel_loop3A_118 = vector.bitcast %parallel_loop3A_117 : vector<16xi32> to vector<16xf32>
        %parallel_loop3A_119 = arith.addf %parallel_loop3A_107, %parallel_loop3A_118 : vector<16xf32>
        %parallel_loop3A_120 = arith.andi %parallel_loop3A_114, %broadcast_in_dim3A_8 : vector<16xi32>
        %parallel_loop3A_121 = vector.bitcast %parallel_loop3A_120 : vector<16xi32> to vector<16xf32>
        %parallel_loop3A_122 = arith.addf %parallel_loop3A_108, %parallel_loop3A_121 : vector<16xf32>
        %parallel_loop3A_123 = arith.addi %parallel_loop3A_112, %broadcast_in_dim3A_6 : vector<16xi32>
        %parallel_loop3A_124 = tpu.vector_load_idx %arg5[%parallel_loop3A_123] : memref<2000xf32, #tpu.memory_space<vmem>>[vector<16xi32>], vector<16xf32>,
        %parallel_loop3A_125 = arith.addf %parallel_loop3A_109, %parallel_loop3A_124 : vector<16xf32>
        scf.yield %parallel_loop3A_119, %parallel_loop3A_122, %parallel_loop3A_125 : vector<16xf32>, vector<16xf32>, vector<16xf32>
      } {sc.loop_unroll_factor = 8 : i64, sc.parallel_access}
      %get3A = arith.constant 0 : i32
      %get3A_81 = arith.index_cast %get3A : i32 to index
      %get3A_82 = arith.index_cast %mul3A_77 : i32 to index
      %get3A_83 = tpu.vector_load %arg8[%get3A_81, %get3A_82] {strides = array<i32>} : memref<3x512xf32, #tpu.memory_space<vmem>>, vector<16xf32>,
      %add3A_84 = arith.addf %get3A_83, %parallel_loop3A_80#0 : vector<16xf32>
      %swap3A = arith.constant 0 : i32
      %swap3A_85 = arith.index_cast %swap3A : i32 to index
      %swap3A_86 = arith.index_cast %mul3A_77 : i32 to index
      %swap3A_87 = tpu.vector_load %arg8[%swap3A_85, %swap3A_86] {strides = array<i32>} : memref<3x512xf32, #tpu.memory_space<vmem>>, vector<16xf32>,
      tpu.vector_store %arg8[%swap3A_85, %swap3A_86], %add3A_84 {strides = array<i32>} : memref<3x512xf32, #tpu.memory_space<vmem>>, vector<16xf32>,
      %get3A_88 = arith.constant 1 : i32
      %get3A_89 = arith.index_cast %get3A_88 : i32 to index
      %get3A_90 = arith.index_cast %mul3A_77 : i32 to index
      %get3A_91 = tpu.vector_load %arg8[%get3A_89, %get3A_90] {strides = array<i32>} : memref<3x512xf32, #tpu.memory_space<vmem>>, vector<16xf32>,
      %add3A_92 = arith.addf %get3A_91, %parallel_loop3A_80#1 : vector<16xf32>
      %swap3A_93 = arith.constant 1 : i32
      %swap3A_94 = arith.index_cast %swap3A_93 : i32 to index
      %swap3A_95 = arith.index_cast %mul3A_77 : i32 to index
      %swap3A_96 = tpu.vector_load %arg8[%swap3A_94, %swap3A_95] {strides = array<i32>} : memref<3x512xf32, #tpu.memory_space<vmem>>, vector<16xf32>,
      tpu.vector_store %arg8[%swap3A_94, %swap3A_95], %add3A_92 {strides = array<i32>} : memref<3x512xf32, #tpu.memory_space<vmem>>, vector<16xf32>,
      %get3A_97 = arith.constant 2 : i32
      %get3A_98 = arith.index_cast %get3A_97 : i32 to index
      %get3A_99 = arith.index_cast %mul3A_77 : i32 to index
      %get3A_100 = tpu.vector_load %arg8[%get3A_98, %get3A_99] {strides = array<i32>} : memref<3x512xf32, #tpu.memory_space<vmem>>, vector<16xf32>,
      %add3A_101 = arith.addf %get3A_100, %parallel_loop3A_80#2 : vector<16xf32>
      %swap3A_102 = arith.constant 2 : i32
      %swap3A_103 = arith.index_cast %swap3A_102 : i32 to index
      %swap3A_104 = arith.index_cast %mul3A_77 : i32 to index
      %swap3A_105 = tpu.vector_load %arg8[%swap3A_103, %swap3A_104] {strides = array<i32>} : memref<3x512xf32, #tpu.memory_space<vmem>>, vector<16xf32>,
      tpu.vector_store %arg8[%swap3A_103, %swap3A_104], %add3A_101 {strides = array<i32>} : memref<3x512xf32, #tpu.memory_space<vmem>>, vector<16xf32>,
    }
    %scan3A_36 = arith.constant 32 : i32
    %dma_wait3A_37 = arith.constant 80 : i32
    %dma_wait3A_38 = tpu.memref_slice %arg2[%dma_wait3A_37, %mul3A_2] : memref<200x16384xi32, #tpu.memory_space<hbm>> -> memref<40x512xi32, #tpu.memory_space<hbm>>
    %dma_wait3A_39 = arith.constant 80 : i32
    %dma_wait3A_40 = tpu.memref_slice %arg2[%dma_wait3A_39, %mul3A_2] : memref<200x16384xi32, #tpu.memory_space<hbm>> -> memref<40x512xi32, #tpu.memory_space<hbm>>
    tpu.wait_dma2 semaphore(%arg9 : memref<!tpu.dma_semaphore, #tpu.memory_space<semaphore_mem>>) src(%dma_wait3A_40 : memref<40x512xi32, #tpu.memory_space<hbm>>) dst(%arg6 : memref<40x512xi32, #tpu.memory_space<vmem>>)
    %dma_start3A_41 = arith.constant 120 : i32
    %dma_start3A_42 = tpu.memref_slice %arg2[%dma_start3A_41, %mul3A_2] : memref<200x16384xi32, #tpu.memory_space<hbm>> -> memref<40x512xi32, #tpu.memory_space<hbm>>
    %dma_start3A_43 = arith.constant 120 : i32
    %dma_start3A_44 = tpu.memref_slice %arg2[%dma_start3A_43, %mul3A_2] : memref<200x16384xi32, #tpu.memory_space<hbm>> -> memref<40x512xi32, #tpu.memory_space<hbm>>
    tpu.enqueue_dma source(%dma_start3A_44 : memref<40x512xi32, #tpu.memory_space<hbm>>) target(%arg7 : memref<40x512xi32, #tpu.memory_space<vmem>>) target_semaphore(%arg10 : memref<!tpu.dma_semaphore, #tpu.memory_space<semaphore_mem>>)
    %scan3A_45 = arith.constant 0 : i32
    %scan3A_46 = arith.constant 0 : i32
    %scan3A_47 = arith.constant 32 : i32
    %scan3A_48 = arith.addi %scan3A_46, %scan3A_47 : i32
    %scan3A_49 = arith.constant 1 : i32
    scf.for %scan3A_75 = %scan3A_46 to %scan3A_48 step %scan3A_49  : i32 {
      %mul3A_76 = arith.constant 16 : i32
      %mul3A_77 = arith.muli %scan3A_75, %mul3A_76 : i32
      %parallel_loop3A = arith.constant 0 : i32
      %parallel_loop3A_78 = arith.constant 40 : i32
      %parallel_loop3A_79 = arith.constant 1 : i32
      %parallel_loop3A_80:3 = scf.for %parallel_loop3A_106 = %parallel_loop3A to %parallel_loop3A_78 step %parallel_loop3A_79 iter_args(%parallel_loop3A_107 = %broadcast_in_dim3A_10, %parallel_loop3A_108 = %broadcast_in_dim3A_10, %parallel_loop3A_109 = %broadcast_in_dim3A_10) -> (vector<16xf32>, vector<16xf32>, vector<16xf32>)  : i32 {
        %parallel_loop3A_110 = arith.index_cast %parallel_loop3A_106 : i32 to index
        %parallel_loop3A_111 = arith.index_cast %mul3A_77 : i32 to index
        %parallel_loop3A_112 = tpu.vector_load %arg6[%parallel_loop3A_110, %parallel_loop3A_111] {strides = array<i32>} : memref<40x512xi32, #tpu.memory_space<vmem>>, vector<16xi32>,
        %parallel_loop3A_113 = tpu.vector_load_idx %arg5[%parallel_loop3A_112] : memref<2000xf32, #tpu.memory_space<vmem>>[vector<16xi32>], vector<16xf32>,
        %parallel_loop3A_114 = vector.bitcast %parallel_loop3A_113 : vector<16xf32> to vector<16xi32>
        %parallel_loop3A_115 = arith.constant 16 : i32
        %parallel_loop3A_116 = vector.broadcast %parallel_loop3A_115 : i32 to vector<16xi32>
        %parallel_loop3A_117 = arith.shli %parallel_loop3A_114, %parallel_loop3A_116 : vector<16xi32>
        %parallel_loop3A_118 = vector.bitcast %parallel_loop3A_117 : vector<16xi32> to vector<16xf32>
        %parallel_loop3A_119 = arith.addf %parallel_loop3A_107, %parallel_loop3A_118 : vector<16xf32>
        %parallel_loop3A_120 = arith.andi %parallel_loop3A_114, %broadcast_in_dim3A_8 : vector<16xi32>
        %parallel_loop3A_121 = vector.bitcast %parallel_loop3A_120 : vector<16xi32> to vector<16xf32>
        %parallel_loop3A_122 = arith.addf %parallel_loop3A_108, %parallel_loop3A_121 : vector<16xf32>
        %parallel_loop3A_123 = arith.addi %parallel_loop3A_112, %broadcast_in_dim3A_6 : vector<16xi32>
        %parallel_loop3A_124 = tpu.vector_load_idx %arg5[%parallel_loop3A_123] : memref<2000xf32, #tpu.memory_space<vmem>>[vector<16xi32>], vector<16xf32>,
        %parallel_loop3A_125 = arith.addf %parallel_loop3A_109, %parallel_loop3A_124 : vector<16xf32>
        scf.yield %parallel_loop3A_119, %parallel_loop3A_122, %parallel_loop3A_125 : vector<16xf32>, vector<16xf32>, vector<16xf32>
      } {sc.loop_unroll_factor = 8 : i64, sc.parallel_access}
      %get3A = arith.constant 0 : i32
      %get3A_81 = arith.index_cast %get3A : i32 to index
      %get3A_82 = arith.index_cast %mul3A_77 : i32 to index
      %get3A_83 = tpu.vector_load %arg8[%get3A_81, %get3A_82] {strides = array<i32>} : memref<3x512xf32, #tpu.memory_space<vmem>>, vector<16xf32>,
      %add3A_84 = arith.addf %get3A_83, %parallel_loop3A_80#0 : vector<16xf32>
      %swap3A = arith.constant 0 : i32
      %swap3A_85 = arith.index_cast %swap3A : i32 to index
      %swap3A_86 = arith.index_cast %mul3A_77 : i32 to index
      %swap3A_87 = tpu.vector_load %arg8[%swap3A_85, %swap3A_86] {strides = array<i32>} : memref<3x512xf32, #tpu.memory_space<vmem>>, vector<16xf32>,
      tpu.vector_store %arg8[%swap3A_85, %swap3A_86], %add3A_84 {strides = array<i32>} : memref<3x512xf32, #tpu.memory_space<vmem>>, vector<16xf32>,
      %get3A_88 = arith.constant 1 : i32
      %get3A_89 = arith.index_cast %get3A_88 : i32 to index
      %get3A_90 = arith.index_cast %mul3A_77 : i32 to index
      %get3A_91 = tpu.vector_load %arg8[%get3A_89, %get3A_90] {strides = array<i32>} : memref<3x512xf32, #tpu.memory_space<vmem>>, vector<16xf32>,
      %add3A_92 = arith.addf %get3A_91, %parallel_loop3A_80#1 : vector<16xf32>
      %swap3A_93 = arith.constant 1 : i32
      %swap3A_94 = arith.index_cast %swap3A_93 : i32 to index
      %swap3A_95 = arith.index_cast %mul3A_77 : i32 to index
      %swap3A_96 = tpu.vector_load %arg8[%swap3A_94, %swap3A_95] {strides = array<i32>} : memref<3x512xf32, #tpu.memory_space<vmem>>, vector<16xf32>,
      tpu.vector_store %arg8[%swap3A_94, %swap3A_95], %add3A_92 {strides = array<i32>} : memref<3x512xf32, #tpu.memory_space<vmem>>, vector<16xf32>,
      %get3A_97 = arith.constant 2 : i32
      %get3A_98 = arith.index_cast %get3A_97 : i32 to index
      %get3A_99 = arith.index_cast %mul3A_77 : i32 to index
      %get3A_100 = tpu.vector_load %arg8[%get3A_98, %get3A_99] {strides = array<i32>} : memref<3x512xf32, #tpu.memory_space<vmem>>, vector<16xf32>,
      %add3A_101 = arith.addf %get3A_100, %parallel_loop3A_80#2 : vector<16xf32>
      %swap3A_102 = arith.constant 2 : i32
      %swap3A_103 = arith.index_cast %swap3A_102 : i32 to index
      %swap3A_104 = arith.index_cast %mul3A_77 : i32 to index
      %swap3A_105 = tpu.vector_load %arg8[%swap3A_103, %swap3A_104] {strides = array<i32>} : memref<3x512xf32, #tpu.memory_space<vmem>>, vector<16xf32>,
      tpu.vector_store %arg8[%swap3A_103, %swap3A_104], %add3A_101 {strides = array<i32>} : memref<3x512xf32, #tpu.memory_space<vmem>>, vector<16xf32>,
    }
    %scan3A_50 = arith.constant 32 : i32
    %dma_wait3A_51 = arith.constant 120 : i32
    %dma_wait3A_52 = tpu.memref_slice %arg2[%dma_wait3A_51, %mul3A_2] : memref<200x16384xi32, #tpu.memory_space<hbm>> -> memref<40x512xi32, #tpu.memory_space<hbm>>
    %dma_wait3A_53 = arith.constant 120 : i32
    %dma_wait3A_54 = tpu.memref_slice %arg2[%dma_wait3A_53, %mul3A_2] : memref<200x16384xi32, #tpu.memory_space<hbm>> -> memref<40x512xi32, #tpu.memory_space<hbm>>
    tpu.wait_dma2 semaphore(%arg10 : memref<!tpu.dma_semaphore, #tpu.memory_space<semaphore_mem>>) src(%dma_wait3A_54 : memref<40x512xi32, #tpu.memory_space<hbm>>) dst(%arg7 : memref<40x512xi32, #tpu.memory_space<vmem>>)
    %dma_start3A_55 = arith.constant 160 : i32
    %dma_start3A_56 = tpu.memref_slice %arg2[%dma_start3A_55, %mul3A_2] : memref<200x16384xi32, #tpu.memory_space<hbm>> -> memref<40x512xi32, #tpu.memory_space<hbm>>
    %dma_start3A_57 = arith.constant 160 : i32
    %dma_start3A_58 = tpu.memref_slice %arg2[%dma_start3A_57, %mul3A_2] : memref<200x16384xi32, #tpu.memory_space<hbm>> -> memref<40x512xi32, #tpu.memory_space<hbm>>
    tpu.enqueue_dma source(%dma_start3A_58 : memref<40x512xi32, #tpu.memory_space<hbm>>) target(%arg6 : memref<40x512xi32, #tpu.memory_space<vmem>>) target_semaphore(%arg9 : memref<!tpu.dma_semaphore, #tpu.memory_space<semaphore_mem>>)
    %scan3A_59 = arith.constant 0 : i32
    %scan3A_60 = arith.constant 0 : i32
    %scan3A_61 = arith.constant 32 : i32
    %scan3A_62 = arith.addi %scan3A_60, %scan3A_61 : i32
    %scan3A_63 = arith.constant 1 : i32
    scf.for %scan3A_75 = %scan3A_60 to %scan3A_62 step %scan3A_63  : i32 {
      %mul3A_76 = arith.constant 16 : i32
      %mul3A_77 = arith.muli %scan3A_75, %mul3A_76 : i32
      %parallel_loop3A = arith.constant 0 : i32
      %parallel_loop3A_78 = arith.constant 40 : i32
      %parallel_loop3A_79 = arith.constant 1 : i32
      %parallel_loop3A_80:3 = scf.for %parallel_loop3A_106 = %parallel_loop3A to %parallel_loop3A_78 step %parallel_loop3A_79 iter_args(%parallel_loop3A_107 = %broadcast_in_dim3A_10, %parallel_loop3A_108 = %broadcast_in_dim3A_10, %parallel_loop3A_109 = %broadcast_in_dim3A_10) -> (vector<16xf32>, vector<16xf32>, vector<16xf32>)  : i32 {
        %parallel_loop3A_110 = arith.index_cast %parallel_loop3A_106 : i32 to index
        %parallel_loop3A_111 = arith.index_cast %mul3A_77 : i32 to index
        %parallel_loop3A_112 = tpu.vector_load %arg7[%parallel_loop3A_110, %parallel_loop3A_111] {strides = array<i32>} : memref<40x512xi32, #tpu.memory_space<vmem>>, vector<16xi32>,
        %parallel_loop3A_113 = tpu.vector_load_idx %arg5[%parallel_loop3A_112] : memref<2000xf32, #tpu.memory_space<vmem>>[vector<16xi32>], vector<16xf32>,
        %parallel_loop3A_114 = vector.bitcast %parallel_loop3A_113 : vector<16xf32> to vector<16xi32>
        %parallel_loop3A_115 = arith.constant 16 : i32
        %parallel_loop3A_116 = vector.broadcast %parallel_loop3A_115 : i32 to vector<16xi32>
        %parallel_loop3A_117 = arith.shli %parallel_loop3A_114, %parallel_loop3A_116 : vector<16xi32>
        %parallel_loop3A_118 = vector.bitcast %parallel_loop3A_117 : vector<16xi32> to vector<16xf32>
        %parallel_loop3A_119 = arith.addf %parallel_loop3A_107, %parallel_loop3A_118 : vector<16xf32>
        %parallel_loop3A_120 = arith.andi %parallel_loop3A_114, %broadcast_in_dim3A_8 : vector<16xi32>
        %parallel_loop3A_121 = vector.bitcast %parallel_loop3A_120 : vector<16xi32> to vector<16xf32>
        %parallel_loop3A_122 = arith.addf %parallel_loop3A_108, %parallel_loop3A_121 : vector<16xf32>
        %parallel_loop3A_123 = arith.addi %parallel_loop3A_112, %broadcast_in_dim3A_6 : vector<16xi32>
        %parallel_loop3A_124 = tpu.vector_load_idx %arg5[%parallel_loop3A_123] : memref<2000xf32, #tpu.memory_space<vmem>>[vector<16xi32>], vector<16xf32>,
        %parallel_loop3A_125 = arith.addf %parallel_loop3A_109, %parallel_loop3A_124 : vector<16xf32>
        scf.yield %parallel_loop3A_119, %parallel_loop3A_122, %parallel_loop3A_125 : vector<16xf32>, vector<16xf32>, vector<16xf32>
      } {sc.loop_unroll_factor = 8 : i64, sc.parallel_access}
      %get3A = arith.constant 0 : i32
      %get3A_81 = arith.index_cast %get3A : i32 to index
      %get3A_82 = arith.index_cast %mul3A_77 : i32 to index
      %get3A_83 = tpu.vector_load %arg8[%get3A_81, %get3A_82] {strides = array<i32>} : memref<3x512xf32, #tpu.memory_space<vmem>>, vector<16xf32>,
      %add3A_84 = arith.addf %get3A_83, %parallel_loop3A_80#0 : vector<16xf32>
      %swap3A = arith.constant 0 : i32
      %swap3A_85 = arith.index_cast %swap3A : i32 to index
      %swap3A_86 = arith.index_cast %mul3A_77 : i32 to index
      %swap3A_87 = tpu.vector_load %arg8[%swap3A_85, %swap3A_86] {strides = array<i32>} : memref<3x512xf32, #tpu.memory_space<vmem>>, vector<16xf32>,
      tpu.vector_store %arg8[%swap3A_85, %swap3A_86], %add3A_84 {strides = array<i32>} : memref<3x512xf32, #tpu.memory_space<vmem>>, vector<16xf32>,
      %get3A_88 = arith.constant 1 : i32
      %get3A_89 = arith.index_cast %get3A_88 : i32 to index
      %get3A_90 = arith.index_cast %mul3A_77 : i32 to index
      %get3A_91 = tpu.vector_load %arg8[%get3A_89, %get3A_90] {strides = array<i32>} : memref<3x512xf32, #tpu.memory_space<vmem>>, vector<16xf32>,
      %add3A_92 = arith.addf %get3A_91, %parallel_loop3A_80#1 : vector<16xf32>
      %swap3A_93 = arith.constant 1 : i32
      %swap3A_94 = arith.index_cast %swap3A_93 : i32 to index
      %swap3A_95 = arith.index_cast %mul3A_77 : i32 to index
      %swap3A_96 = tpu.vector_load %arg8[%swap3A_94, %swap3A_95] {strides = array<i32>} : memref<3x512xf32, #tpu.memory_space<vmem>>, vector<16xf32>,
      tpu.vector_store %arg8[%swap3A_94, %swap3A_95], %add3A_92 {strides = array<i32>} : memref<3x512xf32, #tpu.memory_space<vmem>>, vector<16xf32>,
      %get3A_97 = arith.constant 2 : i32
      %get3A_98 = arith.index_cast %get3A_97 : i32 to index
      %get3A_99 = arith.index_cast %mul3A_77 : i32 to index
      %get3A_100 = tpu.vector_load %arg8[%get3A_98, %get3A_99] {strides = array<i32>} : memref<3x512xf32, #tpu.memory_space<vmem>>, vector<16xf32>,
      %add3A_101 = arith.addf %get3A_100, %parallel_loop3A_80#2 : vector<16xf32>
      %swap3A_102 = arith.constant 2 : i32
      %swap3A_103 = arith.index_cast %swap3A_102 : i32 to index
      %swap3A_104 = arith.index_cast %mul3A_77 : i32 to index
      %swap3A_105 = tpu.vector_load %arg8[%swap3A_103, %swap3A_104] {strides = array<i32>} : memref<3x512xf32, #tpu.memory_space<vmem>>, vector<16xf32>,
      tpu.vector_store %arg8[%swap3A_103, %swap3A_104], %add3A_101 {strides = array<i32>} : memref<3x512xf32, #tpu.memory_space<vmem>>, vector<16xf32>,
    }
    %scan3A_64 = arith.constant 32 : i32
    %dma_wait3A_65 = arith.constant 160 : i32
    %dma_wait3A_66 = tpu.memref_slice %arg2[%dma_wait3A_65, %mul3A_2] : memref<200x16384xi32, #tpu.memory_space<hbm>> -> memref<40x512xi32, #tpu.memory_space<hbm>>
    %dma_wait3A_67 = arith.constant 160 : i32
    %dma_wait3A_68 = tpu.memref_slice %arg2[%dma_wait3A_67, %mul3A_2] : memref<200x16384xi32, #tpu.memory_space<hbm>> -> memref<40x512xi32, #tpu.memory_space<hbm>>
    tpu.wait_dma2 semaphore(%arg9 : memref<!tpu.dma_semaphore, #tpu.memory_space<semaphore_mem>>) src(%dma_wait3A_68 : memref<40x512xi32, #tpu.memory_space<hbm>>) dst(%arg6 : memref<40x512xi32, #tpu.memory_space<vmem>>)
    %scan3A_69 = arith.constant 0 : i32
    %scan3A_70 = arith.constant 0 : i32
    %scan3A_71 = arith.constant 32 : i32
    %scan3A_72 = arith.addi %scan3A_70, %scan3A_71 : i32
    %scan3A_73 = arith.constant 1 : i32
    scf.for %scan3A_75 = %scan3A_70 to %scan3A_72 step %scan3A_73  : i32 {
      %mul3A_76 = arith.constant 16 : i32
      %mul3A_77 = arith.muli %scan3A_75, %mul3A_76 : i32
      %parallel_loop3A = arith.constant 0 : i32
      %parallel_loop3A_78 = arith.constant 40 : i32
      %parallel_loop3A_79 = arith.constant 1 : i32
      %parallel_loop3A_80:3 = scf.for %parallel_loop3A_106 = %parallel_loop3A to %parallel_loop3A_78 step %parallel_loop3A_79 iter_args(%parallel_loop3A_107 = %broadcast_in_dim3A_10, %parallel_loop3A_108 = %broadcast_in_dim3A_10, %parallel_loop3A_109 = %broadcast_in_dim3A_10) -> (vector<16xf32>, vector<16xf32>, vector<16xf32>)  : i32 {
        %parallel_loop3A_110 = arith.index_cast %parallel_loop3A_106 : i32 to index
        %parallel_loop3A_111 = arith.index_cast %mul3A_77 : i32 to index
        %parallel_loop3A_112 = tpu.vector_load %arg6[%parallel_loop3A_110, %parallel_loop3A_111] {strides = array<i32>} : memref<40x512xi32, #tpu.memory_space<vmem>>, vector<16xi32>,
        %parallel_loop3A_113 = tpu.vector_load_idx %arg5[%parallel_loop3A_112] : memref<2000xf32, #tpu.memory_space<vmem>>[vector<16xi32>], vector<16xf32>,
        %parallel_loop3A_114 = vector.bitcast %parallel_loop3A_113 : vector<16xf32> to vector<16xi32>
        %parallel_loop3A_115 = arith.constant 16 : i32
        %parallel_loop3A_116 = vector.broadcast %parallel_loop3A_115 : i32 to vector<16xi32>
        %parallel_loop3A_117 = arith.shli %parallel_loop3A_114, %parallel_loop3A_116 : vector<16xi32>
        %parallel_loop3A_118 = vector.bitcast %parallel_loop3A_117 : vector<16xi32> to vector<16xf32>
        %parallel_loop3A_119 = arith.addf %parallel_loop3A_107, %parallel_loop3A_118 : vector<16xf32>
        %parallel_loop3A_120 = arith.andi %parallel_loop3A_114, %broadcast_in_dim3A_8 : vector<16xi32>
        %parallel_loop3A_121 = vector.bitcast %parallel_loop3A_120 : vector<16xi32> to vector<16xf32>
        %parallel_loop3A_122 = arith.addf %parallel_loop3A_108, %parallel_loop3A_121 : vector<16xf32>
        %parallel_loop3A_123 = arith.addi %parallel_loop3A_112, %broadcast_in_dim3A_6 : vector<16xi32>
        %parallel_loop3A_124 = tpu.vector_load_idx %arg5[%parallel_loop3A_123] : memref<2000xf32, #tpu.memory_space<vmem>>[vector<16xi32>], vector<16xf32>,
        %parallel_loop3A_125 = arith.addf %parallel_loop3A_109, %parallel_loop3A_124 : vector<16xf32>
        scf.yield %parallel_loop3A_119, %parallel_loop3A_122, %parallel_loop3A_125 : vector<16xf32>, vector<16xf32>, vector<16xf32>
      } {sc.loop_unroll_factor = 8 : i64, sc.parallel_access}
      %get3A = arith.constant 0 : i32
      %get3A_81 = arith.index_cast %get3A : i32 to index
      %get3A_82 = arith.index_cast %mul3A_77 : i32 to index
      %get3A_83 = tpu.vector_load %arg8[%get3A_81, %get3A_82] {strides = array<i32>} : memref<3x512xf32, #tpu.memory_space<vmem>>, vector<16xf32>,
      %add3A_84 = arith.addf %get3A_83, %parallel_loop3A_80#0 : vector<16xf32>
      %swap3A = arith.constant 0 : i32
      %swap3A_85 = arith.index_cast %swap3A : i32 to index
      %swap3A_86 = arith.index_cast %mul3A_77 : i32 to index
      %swap3A_87 = tpu.vector_load %arg8[%swap3A_85, %swap3A_86] {strides = array<i32>} : memref<3x512xf32, #tpu.memory_space<vmem>>, vector<16xf32>,
      tpu.vector_store %arg8[%swap3A_85, %swap3A_86], %add3A_84 {strides = array<i32>} : memref<3x512xf32, #tpu.memory_space<vmem>>, vector<16xf32>,
      %get3A_88 = arith.constant 1 : i32
      %get3A_89 = arith.index_cast %get3A_88 : i32 to index
      %get3A_90 = arith.index_cast %mul3A_77 : i32 to index
      %get3A_91 = tpu.vector_load %arg8[%get3A_89, %get3A_90] {strides = array<i32>} : memref<3x512xf32, #tpu.memory_space<vmem>>, vector<16xf32>,
      %add3A_92 = arith.addf %get3A_91, %parallel_loop3A_80#1 : vector<16xf32>
      %swap3A_93 = arith.constant 1 : i32
      %swap3A_94 = arith.index_cast %swap3A_93 : i32 to index
      %swap3A_95 = arith.index_cast %mul3A_77 : i32 to index
      %swap3A_96 = tpu.vector_load %arg8[%swap3A_94, %swap3A_95] {strides = array<i32>} : memref<3x512xf32, #tpu.memory_space<vmem>>, vector<16xf32>,
      tpu.vector_store %arg8[%swap3A_94, %swap3A_95], %add3A_92 {strides = array<i32>} : memref<3x512xf32, #tpu.memory_space<vmem>>, vector<16xf32>,
      %get3A_97 = arith.constant 2 : i32
      %get3A_98 = arith.index_cast %get3A_97 : i32 to index
      %get3A_99 = arith.index_cast %mul3A_77 : i32 to index
      %get3A_100 = tpu.vector_load %arg8[%get3A_98, %get3A_99] {strides = array<i32>} : memref<3x512xf32, #tpu.memory_space<vmem>>, vector<16xf32>,
      %add3A_101 = arith.addf %get3A_100, %parallel_loop3A_80#2 : vector<16xf32>
      %swap3A_102 = arith.constant 2 : i32
      %swap3A_103 = arith.index_cast %swap3A_102 : i32 to index
      %swap3A_104 = arith.index_cast %mul3A_77 : i32 to index
      %swap3A_105 = tpu.vector_load %arg8[%swap3A_103, %swap3A_104] {strides = array<i32>} : memref<3x512xf32, #tpu.memory_space<vmem>>, vector<16xf32>,
      tpu.vector_store %arg8[%swap3A_103, %swap3A_104], %add3A_101 {strides = array<i32>} : memref<3x512xf32, #tpu.memory_space<vmem>>, vector<16xf32>,
    }
    %scan3A_74 = arith.constant 32 : i32
    "tpu.region"() ({
      %run_scoped3A = tpu.sem_alloc : memref<!tpu.dma_semaphore, #tpu.memory_space<semaphore_mem>>
      %dma_start3A_75 = arith.constant 0 : i32
      %dma_start3A_76 = tpu.memref_slice %arg4[%dma_start3A_75, %mul3A_2] : memref<3x16384xf32, #tpu.memory_space<hbm>> -> memref<3x512xf32, #tpu.memory_space<hbm>>
      %dma_start3A_77 = arith.constant 0 : i32
      %dma_start3A_78 = tpu.memref_slice %arg4[%dma_start3A_77, %mul3A_2] : memref<3x16384xf32, #tpu.memory_space<hbm>> -> memref<3x512xf32, #tpu.memory_space<hbm>>
      tpu.enqueue_dma source(%arg8 : memref<3x512xf32, #tpu.memory_space<vmem>>) target(%dma_start3A_78 : memref<3x512xf32, #tpu.memory_space<hbm>>) target_semaphore(%run_scoped3A : memref<!tpu.dma_semaphore, #tpu.memory_space<semaphore_mem>>)
      %dma_wait3A_79 = arith.constant 0 : i32
      %dma_wait3A_80 = tpu.memref_slice %arg4[%dma_wait3A_79, %mul3A_2] : memref<3x16384xf32, #tpu.memory_space<hbm>> -> memref<3x512xf32, #tpu.memory_space<hbm>>
      %dma_wait3A_81 = arith.constant 0 : i32
      %dma_wait3A_82 = tpu.memref_slice %arg4[%dma_wait3A_81, %mul3A_2] : memref<3x16384xf32, #tpu.memory_space<hbm>> -> memref<3x512xf32, #tpu.memory_space<hbm>>
      tpu.wait_dma2 semaphore(%run_scoped3A : memref<!tpu.dma_semaphore, #tpu.memory_space<semaphore_mem>>) src(%arg8 : memref<3x512xf32, #tpu.memory_space<vmem>>) dst(%dma_wait3A_82 : memref<3x512xf32, #tpu.memory_space<hbm>>)
      tpu.yield
    }) : () -> ()
    return
  }
}

module attributes {stable_mosaic.version = 14 : i64} {
  func.func @_tab_kernel(%arg0: memref<1000x16xf32, #tpu.memory_space<vmem>>, %arg1: memref<3x16xf32, #tpu.memory_space<vmem>>, %arg2: memref<3x1xf32, #tpu.memory_space<vmem>>, %arg3: memref<2x1000xf32, #tpu.memory_space<vmem>>) attributes {dimension_semantics = [], scalar_prefetch = 0 : i64, scratch_operands = 0 : i64, tpu.core_type = #tpu.core_type<tc>} {
    %get3A = arith.constant 0 : index
    %get3A_0 = arith.constant 0 : index
    %get3A_1 = vector.load %arg1[%get3A, %get3A_0] : memref<3x16xf32, #tpu.memory_space<vmem>>, vector<3x16xf32>
    %get3A_2 = arith.constant 0 : index
    %get3A_3 = arith.constant 0 : index
    %get3A_4 = vector.load %arg0[%get3A_2, %get3A_3] : memref<1000x16xf32, #tpu.memory_space<vmem>>, vector<1000x16xf32>
    %dot_general3A = arith.constant dense<0.000000e+00> : vector<3x1000xf32>
    %dot_general3A_5 = tpu.matmul %get3A_1, %get3A_4, %dot_general3A {dimension_numbers = #tpu.dot_dimension_numbers<[1], [1], [0], [0], [0, 0, 1, 0], [], []>, transpose_lhs_hint = false} : vector<3x16xf32>, vector<1000x16xf32>, vector<3x1000xf32> -> vector<3x1000xf32>
    %mul3A = arith.constant 5.000000e-03 : f32
    %mul3A_6 = vector.broadcast %mul3A : f32 to vector<3x1000xf32>
    %mul3A_7 = arith.mulf %dot_general3A_5, %mul3A_6 : vector<3x1000xf32>
    %get3A_8 = arith.constant 0 : index
    %get3A_9 = arith.constant 0 : index
    %get3A_10 = vector.load %arg2[%get3A_8, %get3A_9] : memref<3x1xf32, #tpu.memory_space<vmem>>, vector<3x1xf32>
    %mul3A_11 = arith.constant 5.000000e-03 : f32
    %mul3A_12 = vector.broadcast %mul3A_11 : f32 to vector<3x1xf32>
    %mul3A_13 = arith.mulf %get3A_10, %mul3A_12 : vector<3x1xf32>
    %add3A = vector.broadcast %mul3A_13 : vector<3x1xf32> to vector<3x1000xf32>
    %add3A_14 = arith.addf %mul3A_7, %add3A : vector<3x1000xf32>
    %slice3A = vector.extract_strided_slice %add3A_14 {offsets = [0, 0], sizes = [1, 1000], strides = [1, 1]} : vector<3x1000xf32> to vector<1x1000xf32>
    %convert_element_type3A = arith.truncf %slice3A : vector<1x1000xf32> to vector<1x1000xbf16>
    %bitcast_convert_type3A = tpu.bitcast %convert_element_type3A : vector<1x1000xbf16> -> vector<1x1000xi16>
    %convert_element_type3A_15 = arith.extui %bitcast_convert_type3A : vector<1x1000xi16> to vector<1x1000xi32>
    %slice3A_16 = vector.extract_strided_slice %add3A_14 {offsets = [1, 0], sizes = [1, 1000], strides = [1, 1]} : vector<3x1000xf32> to vector<1x1000xf32>
    %convert_element_type3A_17 = arith.truncf %slice3A_16 : vector<1x1000xf32> to vector<1x1000xbf16>
    %bitcast_convert_type3A_18 = tpu.bitcast %convert_element_type3A_17 : vector<1x1000xbf16> -> vector<1x1000xi16>
    %convert_element_type3A_19 = arith.extui %bitcast_convert_type3A_18 : vector<1x1000xi16> to vector<1x1000xi32>
    %shift_left3A = arith.constant 16 : i32
    %shift_left3A_20 = vector.broadcast %shift_left3A : i32 to vector<1x1000xi32>
    %shift_left3A_21 = arith.shli %convert_element_type3A_19, %shift_left3A_20 : vector<1x1000xi32>
    %or3A = arith.ori %convert_element_type3A_15, %shift_left3A_21 : vector<1x1000xi32>
    %bitcast_convert_type3A_22 = tpu.bitcast %or3A : vector<1x1000xi32> -> vector<1x1000xf32>
    %swap3A = arith.constant 0 : index
    %swap3A_23 = arith.constant 0 : index
    %swap3A_24 = vector.load %arg3[%swap3A, %swap3A_23] : memref<2x1000xf32, #tpu.memory_space<vmem>>, vector<1x1000xf32>
    tpu.vector_store %arg3[%swap3A, %swap3A_23], %bitcast_convert_type3A_22 {strides = array<i32>} : memref<2x1000xf32, #tpu.memory_space<vmem>>, vector<1x1000xf32>,
    %slice3A_25 = vector.extract_strided_slice %add3A_14 {offsets = [2, 0], sizes = [1, 1000], strides = [1, 1]} : vector<3x1000xf32> to vector<1x1000xf32>
    %swap3A_26 = arith.constant 1 : index
    %swap3A_27 = arith.constant 0 : index
    %swap3A_28 = vector.load %arg3[%swap3A_26, %swap3A_27] : memref<2x1000xf32, #tpu.memory_space<vmem>>, vector<1x1000xf32>
    tpu.vector_store %arg3[%swap3A_26, %swap3A_27], %slice3A_25 {strides = array<i32>} : memref<2x1000xf32, #tpu.memory_space<vmem>>, vector<1x1000xf32>,
    return
  }
}

</mosaic_0001>

<sc_bundles>
// kernel: kernel.4.cloned.1.call-start
scs
__scs_entry_jumppad:
0x0: {  	(pc) =	sbr.rel $0x88, $3  }
0x1: {  	(tag) =	ssettag $0x0;
	lr =	simm.s32 $0x1  }
0x2: {  	[smem:$0x3F9D] =	sst lr;
	_ =	strace $0xD0000000  }
0x3: {  	_ = 	snop  }
0x4: {  	_ = 	snop  }
0x5: {  	_ = 	snop  }
0x6: {  	_ = 	snop  }
0x7: {  	_ = 	snop  }
__scs_overlays_trampoline_lowered:
0x8: {  	[smem:$0x3FAC] =	sst s0  }
0x9: {  	[smem:$0x3FAD] =	sst s1  }
0xa: {  	[smem:$0x3FAE] =	sst s2  }
0xb: {  	[smem:$0x3FAF] =	sst s3  }
0xc: {  	[smem:$0x3FB0] =	sst s4  }
0xd: {  	[smem:$0x3FB1] =	sst s5  }
0xe: {  	[smem:$0x3FB2] =	sst s6  }
0xf: {  	[smem:$0x3FB3] =	sst s7  }
0x10: {  	[smem:$0x3FB4] =	sst s8  }
0x11: {  	[smem:$0x3FB5] =	sst s9;
	s0 =	simm.s32 @!p0 $0x0  }
0x12: {  	s1 =	sld [smem:$0x3F9B];
	s0 =	simm.s32 @p0 $0x1  }
0x13: {  	[smem:$0x3FB6] =	sst s0;
	s0 =	simm.s32 @!p1 $0x0  }
0x14: {  	s2 =	sld [smem:$0x3F9A];
	s0 =	simm.s32 @p1 $0x1  }
0x15: {  	[smem:$0x3FB7] =	sst s0;
	s0 =	simm.s32 @!p2 $0x0  }
0x16: {  	s3 =	sld [smem:$0x3FDB];
	s0 =	simm.s32 @p2 $0x1  }
0x17: {  	s4 =	simm.s32 $0x1BF5;
	[smem:$0x3FB9] =	sst s0  }
0x18: {  	s0 =	sld [smem:$0x3F9C];
	_ =	swait.ge [sflag:s4], $0x0  }
0x19: {  	s7 =	sld [smem:$0x3F9D]  }
0x1a: {  	s8 =	sadd.s32 $0xFFFFE003, lr  }
0x1b: {  	s9 =	sadd.s32 $0xFFFFFEF7, lr;
	s5 =	simm.s32 $0xFFFFFFFF;
	p2 =	slt.u32 s8, $0xFFFFF086  }
0x1c: {  	p1 =	slt.u32 s9, $0xF7A;
	s5 =	simm.s32 @!p2 $0x0  }
0x1d: {  	s5 =	simm.s32 @p1 $0x1;
	p0 =	seq.s32 s7, s2  }
0x1e: {  	s7 =	smul.u32 @!p0 $0xF7A, s2;
	p2 =	seq.s32 @!p0 s5, $0x0  }
0x1f: {  	s9 =	smul.u32 $0xF7A, s1;
	s8 =	simm.s32 @!p0 $0x1BF5;
	p2 =	por !p2, p0  }
0x20: {  	[sflag:s8] =	ssyncset.s32 @!p0 $0xFFFFF086;
	s6 =	sadd.s32 @!p0 s3, s7;
	s7 =	simm.s32 @!p0 $0x108  }
0x21: {  	s3 =	sadd.s32 s3, s9;
	s6 =	sadd.s32 @!p0 $0x88, s6;
	s7 =	simm.s32 @p2 $0x1082  }
0x22: {  	[simem:s7], [sflag:s8] =	dma.local @!p0 [hbm:s6], $0xF7A  }
0x23: {  	s9 =	sor.u32 $0xD0000000, s2;
	s6 =	simm.s32 $0x108;
	_ =	swait.ge @!p0 [sflag:s8], $0x0  }
0x24: {  	s3 =	sadd.s32 $0x88, s3;
	s6 =	simm.s32 @!p1 $0x1082;
	[sflag:s4] =	ssyncset.s32 $0xFFFFF086  }
0x25: {  	[simem:s6], [sflag:s4] =	dma.local [hbm:s3], $0xF7A  }
0x26: {  	[smem:$0x3F9D] =	sst s1;
	(tag) =	ssettag s2;
	_ =	strace s9  }
0x27: {  	s1 =	sld [smem:$0x3FAD]  }
0x28: {  	s2 =	sld [smem:$0x3FAE]  }
0x29: {  	s4 =	sld [smem:$0x3FB0]  }
0x2a: {  	p0 =	seq.s32 s5, $0x0;
	s5 =	sld [smem:$0x3FB1]  }
0x2b: {  	s6 =	sld [smem:$0x3FB2]  }
0x2c: {  	s7 =	sld [smem:$0x3FB3]  }
0x2d: {  	s3 =	simm.s32 $0x108;
	s8 =	sld [smem:$0x3FB4]  }
0x2e: {  	s3 =	simm.s32 @!p0 $0x1082;
	s9 =	sld [smem:$0x3FB5]  }
0x2f: {  	lr =	sadd.s32 s0, s3;
	s0 =	sld [smem:$0x3FAC]  }
0x30: {  	s3 =	sld [smem:$0x3FAF]  }
0x31: {  	[smem:$0x3FB8] =	sst s10  }
0x32: {  	s10 =	sld [smem:$0x3FB6];
	_ =	sdelay $0x3  }
0x33: {  	p0 =	seq.s32 s10, $0x1;
	s10 =	sld [smem:$0x3FB8];
	_ =	sdelay $0x3  }
0x34: {  	[smem:$0x3FB8] =	sst s10  }
0x35: {  	s10 =	sld [smem:$0x3FB7];
	_ =	sdelay $0x3  }
0x36: {  	p1 =	seq.s32 s10, $0x1;
	s10 =	sld [smem:$0x3FB8];
	_ =	sdelay $0x3  }
0x37: {  	[smem:$0x3FB8] =	sst s10  }
0x38: {  	s10 =	sld [smem:$0x3FB9]  }
0x39: {  	_ = 	snop;
	(pc) =	sbr.ind lr, $3  }
0x3a: {  	_ = 	snop  }
0x3b: {  	_ = 	snop  }
0x3c: {  	p2 =	seq.s32 s10, $0x1;
	s10 =	sld [smem:$0x3FB8]  }
0x3d: {  	_ =	shalt  }
0x3e: {  	_ =	shalt  }
0x3f: {  	_ =	shalt  }
0x40: {  	_ =	shalt  }
0x41: {  	_ =	shalt  }
0x42: {  	_ =	shalt  }
0x43: {  	_ =	shalt  }
0x44: {  	_ =	shalt  }
0x45: {  	_ =	shalt  }
0x46: {  	_ =	shalt  }
0x47: {  	_ =	shalt  }
0x48: {  	_ =	shalt  }
0x49: {  	_ =	shalt  }
0x4a: {  	_ =	shalt  }
0x4b: {  	_ =	shalt  }
0x4c: {  	_ =	shalt  }
0x4d: {  	_ =	shalt  }
0x4e: {  	_ =	shalt  }
0x4f: {  	_ =	shalt  }
0x50: {  	_ =	shalt  }
0x51: {  	_ =	shalt  }
0x52: {  	_ =	shalt  }
0x53: {  	_ =	shalt  }
0x54: {  	_ =	shalt  }
0x55: {  	_ =	shalt  }
0x56: {  	_ =	shalt  }
0x57: {  	_ =	shalt  }
0x58: {  	_ =	shalt  }
0x59: {  	_ =	shalt  }
0x5a: {  	_ =	shalt  }
0x5b: {  	_ =	shalt  }
0x5c: {  	_ =	shalt  }
0x5d: {  	_ =	shalt  }
0x5e: {  	_ =	shalt  }
0x5f: {  	_ =	shalt  }
0x60: {  	_ =	shalt  }
0x61: {  	_ =	shalt  }
0x62: {  	_ =	shalt  }
0x63: {  	_ =	shalt  }
0x64: {  	_ =	shalt  }
0x65: {  	_ =	shalt  }
0x66: {  	_ =	shalt  }
0x67: {  	_ =	shalt  }
0x68: {  	_ =	shalt  }
0x69: {  	_ =	shalt  }
0x6a: {  	_ =	shalt  }
0x6b: {  	_ =	shalt  }
0x6c: {  	_ =	shalt  }
0x6d: {  	_ =	shalt  }
0x6e: {  	_ =	shalt  }
0x6f: {  	_ =	shalt  }
0x70: {  	_ =	shalt  }
0x71: {  	_ =	shalt  }
0x72: {  	_ =	shalt  }
0x73: {  	_ =	shalt  }
0x74: {  	_ =	shalt  }
0x75: {  	_ =	shalt  }
0x76: {  	_ =	shalt  }
0x77: {  	_ =	shalt  }
0x78: {  	_ =	shalt  }
0x79: {  	_ =	shalt  }
0x7a: {  	_ =	shalt  }
0x7b: {  	_ =	shalt  }
0x7c: {  	_ =	shalt  }
0x7d: {  	_ =	shalt  }
0x7e: {  	_ =	shalt  }
0x7f: {  	_ =	shalt  }
0x80: {  	_ =	shalt  }
0x81: {  	_ =	shalt  }
0x82: {  	_ =	shalt  }
0x83: {  	_ =	shalt  }
0x84: {  	_ =	shalt  }
0x85: {  	_ =	shalt  }
0x86: {  	_ =	shalt  }
0x87: {  	_ =	shalt  }
.Lfunc_end0:
.L_simem_size_0:
called_computation_lowered:
.L_overlay_start_0:
0x88: {  	s2 =	sld [smem:$0x3FD9]  }
0x89: {  	s3 =	sld [smem:$0x3FFE];
	_ =	sdelay $0x1  }
0x8a: {  	s1 =	srdreg.scid  }
0x8b: {  	s0 =	sand.u32 $0x1, s1  }
0x8c: {  	s17 =	sshll.u32 s0, $0xA;
	s2 =	sadd.s32 s3, s2  }
0x8d: {  	s2 =	sadd.s32 s2, s17  }
0x8e: {  	[smem:$0x3FC4] =	sst s2  }
0x8f: {  	_ = 	snop  }
0x90: {  	s2 =	sld [smem:$0x3FC9]  }
0x91: {  	s18 =	sld [smem:$0x3FD0];
	(tm) =	ssettm $0x1  }
0x92: {  	s4 =	sld [smem:$0x3FFB];
	_ =	sdelay $0x3  }
0x93: {  	_ =	strace s4  }
0x94: {  	s4 =	sld [smem:$0x3FFC];
	_ =	sdelay $0x3  }
0x95: {  	_ =	strace s4  }
0x96: {  	s4 =	sld [smem:$0x3FFD];
	_ =	sdelay $0x3  }
0x97: {  	_ =	strace s4  }
0x98: {  	_ =	strace $0x8FFFFFFF  }
0x99: {  	s19 =	sld [smem:$0x3FDB];
	_ =	sdelay $0x1  }
0x9a: {  	s5 =	simm.s32 $_scs_section_size  }
0x9b: {  	s6 =	simm.s32 $_size__tile_overlayer_lowered;
	s7 =	simm.s32 $_tile_overlayer_lowered  }
0x9c: {  	s22 =	simm.s32 $0x1BFF;
	s21 =	sshll.u32 s7, $0x1;
	s4 =	sadd.s32 s5, s19  }
0x9d: {  	s8 =	simm.s32 $0x0;
	s20 =	sshll.u32 s6, $0x1;
	s6 =	sadd.s32 s21, s4  }
0x9e: {  	[timem:s8], [sflag:s22] =	dma.local [hbm:s6], s20  }
0x9f: {  	_ =	swait.ge [sflag:s22], s20  }
0xa0: {  	s5 =	ssub.s32 $0x0, s20;
	[sflag:s22] =	ssyncset.done $0x0  }
0xa1: {  	[sflag:s22] =	ssyncadd.s32 s5;
	_ =	sdelay $0x1  }
0xa2: {  	s23 =	simm.s32 $0x1B8B  }
0xa3: {  	_ =	swait.ge [sflag:s23], $0x1  }
0xa4: {  	[sflag:s23] =	ssyncset.done $0x0  }
0xa5: {  	s25 =	simm.s32 $0x1B8E;
	s24 =	sld [smem:$0x3FFE];
	[sflag:s23] =	ssyncadd.s32 $0xFFFFFFFF  }
0xa6: {  	s26 =	simm.s32 $execute0_lowered;
	[smem:$0x3FD2] =	sst s25  }
0xa7: {  	s6 =	sshll.u32 s26, $0x1;
	_ =	strace $0x80000046;
	[dreg:$0x1] =	wrdreg $0xFFFFFFFF  }
0xa8: {  	s28 =	simm.s32 $_size_execute0_lowered;
	s4 =	sadd.s32 s4, s6;
	[dreg:$0x0] =	wrdreg $0x0  }
0xa9: {  	s6 =	sshll.u32 s28, $0x1;
	[dreg:$0x2] =	wrdreg s4  }
0xaa: {  	[dreg:$0x3] =	wrdreg s6  }
0xab: {  	[dreg:$0x4] =	wrdreg $0xC0  }
0xac: {  	_ =	task [dreg:s8], $0x5FFFF  }
0xad: {  	[dreg:$0x1] =	wrdreg $0xFFFFFFFF  }
0xae: {  	[dreg:$0x0] =	wrdreg $0x60  }
0xaf: {  	[dreg:$0x2] =	wrdreg s2  }
0xb0: {  	[dreg:$0x3] =	wrdreg s24  }
0xb1: {  	[dreg:$0x4] =	wrdreg s18  }
0xb2: {  	[dreg:$0x5] =	wrdreg $0x9  }
0xb3: {  	_ =	task.clear_ibuf [dreg:s8], $0x6FFFF;
	_ =	strace $0x90000046  }
0xb4: {  	s29 =	simm.s32 $0x9;
	_ =	strace $0x80000048  }
0xb5: {  	_ =	swait.ge [sflag:s29], $0x1  }
0xb6: {  	[sflag:s29] =	ssyncadd.s32 $0xFFFFFFFF  }
0xb7: {  	_ =	strace $0x90000048  }
0xb8: {  	_ =	sfence  }
0xb9: {  	s30 =	sld [smem:$0x0];
	_ =	sdelay $0x2  }
0xba: {  	s31 =	sshll.u32 s1, $0xD;
	s1 =	sshrl.u32 s1, $0x2  }
0xbb: {  	s3 =	sand.u32 $0x4000, s31;
	s1 =	sadd.s32 s1, s30  }
0xbc: {  	s0 =	sor.u32 s3, s0;
	s1 =	sshll.u32 s1, $0x11  }
0xbd: {  	s0 =	sor.u32 s1, s0  }
0xbe: {  	s0 =	sadd.s32 $0x8F2B, s0  }
0xbf: {  	[sflag:s0] =	ssyncadd.remote.s32 $0x1  }
0xc0: {  	_ =	sfence.sel $0xFFFF  }
0xc1: {  	[dreg:$0x0] =	wrdreg $0xFFFFFFFF;
	(pc) =	sbr.abs _section_cstart, $3  }
0xc2: {  	[dreg:$0x1] =	wrdreg $0xFFFFFFFF  }
0xc3: {  	_ =	task.clear_ibuf [dreg:s8], $0x2FFFF;
	_ =	strace $0x9FFFFFFF  }
0xc4: {  	(tm) =	ssettm $0x7FFFFFFF  }
0xc5: {  	_ =	shalt  }
tec
execute0_lowered:
.L_overlay_start_1:
0x0: {  	(tag) =	ssettag $0x1  }
0x1: {  	s3 =	rddreg [dreg:$0x0]  }
0x2: {  	s4 =	rddreg [dreg:$0x1]  }
0x3: {  	s9 =	rddreg [dreg:$0x2];
	s2 =	srdreg.scid  }
0x4: {  	s0 =	rddreg [dreg:$0x3];
	s1 =	stileid.u32;
	s12 =	simm.s32 $0x1000  }
0x5: {  	s13 =	simm.s32 $0x20000;
	s14 =	simm.s32 $0x800;
	s15 =	simm.s32 $0x1  }
0x6: {  	s16 =	simm.s32 $0x5800;
	s17 =	simm.s32 $0x2;
	s18 =	simm.s32 $0xA800  }
0x7: {  	s19 =	simm.s32 $0x0;
	s5 =	sand.u32 $0x1, s2;
	s2 =	simm.s32 $0x0  }
0x8: {  	s6 =	sshll.u32 s1, $0xA;
	s4 =	sadd.s32 $0x600, s4;
	s7 =	sshll.u32 s5, $0x9  }
0x9: {  	[smem:$0x7FF] =	sst s2;
	s5 =	ssub.s32 $0x2, s5;
	s8 =	sor.u32 s7, s6  }
0xa: {  	_ =	strace $0x80000047;
	s31 =	sshrl.u32 s5, $0x1;
	s3 =	sadd.s32 s3, s8  }
0xb: {  	s10 =	ssub.s32 s5, s31;
	s11 =	sshrl.u32 s8, $0x1;
	s5 =	sadd.s32 $0x14000, s3  }
0xc: {  	s6 =	sadd.s32 $0x28000, s3;
	s7 =	sadd.s32 $0x3C000, s3;
	s8 =	sadd.s32 $0x50000, s3  }
0xd: {  	s9 =	sadd.s32 s9, s11;
	s10 =	smax.u32 s10, $0x1;
	s11 =	simm.s32 $0x3  }
.LBB2_1:
0xe: {  	[tilespmem:s2], [sflag:$0x3] =	stream.linear.gather [hbm4b:s4+s2], $0x800, $0x38;
	[tilespmem:$0xB000] =	vst v63  }
0xf: {  	_ =	swait.ge [sflag:s11], $0x800  }
0x10: {  	[sflag:s11] =	ssyncset.done $0x0  }
0x11: {  	[sflag:s11] =	ssyncadd.s32 $0xFFFFF800  }
0x12: {  	[tilespmem:s14], [sflag:$0x1] =	stream.strided.gather [hbm4b:s3+s12], $0x5000, s13, s12, $0x38;
	[tilespmem:$0xB000] =	vst v63  }
0x13: {  	_ =	swait.ge [sflag:s15], $0x5000  }
0x14: {  	s20 =	simm.s32 $0x0;
	[sflag:s15] =	ssyncset.done $0x0  }
0x15: {  	s21 =	simm.s32 $0x0;
	s22 =	simm.s32 $0x0;
	[sflag:s15] =	ssyncadd.s32 $0xFFFFB000  }
0x16: {  	[tilespmem:s16], [sflag:$0x2] =	stream.strided.gather [hbm4b:s5+s12], $0x5000, s13, s12, $0x38;
	[tilespmem:$0xB000] =	vst v63  }
.LBB2_2:
0x17: {  	s23 =	sshll.u32 s21, $0x2;
	s24 =	sand.u32 $0x7, s20  }
0x18: {  	s23 =	sand.u32 $0xFFFFF000, s23;
	s24 =	sshll.u32 s24, $0x6  }
0x19: {  	s23 =	sor.u32 s24, s23  }
0x1a: {  	s23 =	sshrl.u32 s23, $0x2  }
0x1b: {  	s25 =	sadd.s32 $0xA00, s23  }
0x1c: {  	v0 =	vld [tilespmem:s25+$0xFFFFFE00]  }
0x1d: {  	v1 =	vld [tilespmem:s25+$0xFFFFFE80]  }
0x1e: {  	v2 =	vld [tilespmem:s25+$0xFFFFFF00]  }
0x1f: {  	v3 =	vld [tilespmem:s25+$0x180]  }
0x20: {  	v6 =	vld [tilespmem:s25+$0xFFFFFF80]  }
0x21: {  	v5 =	vld [tilespmem:s25+$0x100]  }
0x22: {  	v7 =	vld [tilespmem:s25+$0x80];
	v4 =	vadd.s32 $0x3E8, v0  }
0x23: {  	v9 =	vld [tilespmem:s25+$0x0]  }
0x24: {  	v8 =	vadd.s32 $0x3E8, v1;
	v0 =	vld.idx.msk [tilespmem:v0+s2+$0x0], $0xffff  }
0x25: {  	v10 =	vadd.s32 $0x3E8, v2;
	v1 =	vld.idx.msk [tilespmem:v1+s2+$0x0], $0xffff  }
0x26: {  	v2 =	vld.idx.msk [tilespmem:v2+s2+$0x0], $0xffff  }
0x27: {  	v11 =	vadd.s32 $0x3E8, v6;
	v4 =	vld.idx.msk [tilespmem:v4+s2+$0x0], $0xffff  }
0x28: {  	v6 =	vld.idx.msk [tilespmem:v6+s2+$0x0], $0xffff  }
0x29: {  	v13 =	vimm.f32 $0.0e+00;
	v8 =	vld.idx.msk [tilespmem:v8+s2+$0x0], $0xffff  }
0x2a: {  	v12 =	vadd.s32 $0x3E8, v9;
	v10 =	vld.idx.msk [tilespmem:v10+s2+$0x0], $0xffff;
	v14 =	vshll.u32 v0, $0x10;
	v15 =	vand.u32 $0xFFFF0000, v0  }
0x2b: {  	v0 =	vld.idx.msk [tilespmem:v9+s2+$0x0], $0xffff;
	v9 =	vadd.s32 $0x3E8, v7;
	v14 =	vadd.f32 v14, v13;
	v15 =	vadd.f32 v15, v13  }
0x2c: {  	v11 =	vld.idx.msk [tilespmem:v11+s2+$0x0], $0xffff;
	v58 =	vshll.u32 v1, $0x10;
	v59 =	vand.u32 $0xFFFF0000, v1;
	v4 =	vadd.f32 v4, v13  }
0x2d: {  	v16 =	vadd.s32 $0x3E8, v5;
	v1 =	vld.idx.msk [tilespmem:v7+s2+$0x0], $0xffff;
	v13 =	vadd.f32 v58, v14;
	v7 =	vadd.f32 v59, v15  }
0x2e: {  	v60 =	vshll.u32 v2, $0x10;
	v62 =	vand.u32 $0xFFFF0000, v2;
	v2 =	vld.idx.msk [tilespmem:v5+s2+$0x0], $0xffff;
	v8 =	vadd.f32 v8, v4  }
0x2f: {  	v4 =	vld.idx.msk [tilespmem:v12+s2+$0x0], $0xffff;
	v61 =	vadd.f32 v60, v13;
	v13 =	vadd.f32 v62, v7;
	v7 =	vadd.s32 $0x3E8, v3  }
0x30: {  	v5 =	vld.idx.msk [tilespmem:v9+s2+$0x0], $0xffff;
	v63 =	vadd.f32 v10, v8;
	v8 =	vshll.u32 v6, $0x10  }
0x31: {  	s31 =	sshll.u32 s22, $0x4;
	v3 =	vld.idx.msk [tilespmem:v3+s2+$0x0], $0xffff;
	v6 =	vand.u32 $0xFFFF0000, v6;
	v8 =	vadd.f32 v8, v61  }
0x32: {  	s24 =	simm.s32 $0x0;
	s23 =	sand.u32 $0x70, s31;
	s25 =	sadd.s32 $0x1000, s25;
	v10 =	vadd.f32 v6, v13;
	v6 =	vld.idx.msk [tilespmem:v16+s2+$0x0], $0xffff;
	v9 =	vadd.f32 v11, v63;
	v11 =	vshll.u32 v0, $0x10  }
.LBB2_3:
0x33: {  	v12 =	vld [tilespmem:s25+$0xFFFFFE00];
	v8 =	vadd.f32 v11, v8;
	v0 =	vand.u32 $0xFFFF0000, v0  }
0x34: {  	s24 =	sadd.s32 $0x8, s24;
	v0 =	vadd.f32 v0, v10;
	v4 =	vadd.f32 v4, v9;
	v9 =	vshll.u32 v1, $0x10;
	v7 =	vld.idx.msk [tilespmem:v7+s2+$0x0], $0xffff  }
0x35: {  	p0 =	slt.u32 s24, $0x20;
	v1 =	vand.u32 $0xFFFF0000, v1;
	v10 =	vld [tilespmem:s25+$0xFFFFFE80];
	v8 =	vadd.f32 v9, v8  }
0x36: {  	v9 =	vld [tilespmem:s25+$0x180];
	v0 =	vadd.f32 v1, v0;
	v1 =	vadd.f32 v5, v4;
	v4 =	vshll.u32 v2, $0x10  }
0x37: {  	v2 =	vand.u32 $0xFFFF0000, v2;
	v5 =	vld [tilespmem:s25+$0xFFFFFF00];
	v4 =	vadd.f32 v4, v8  }
0x38: {  	v8 =	vld [tilespmem:s25+$0x100];
	v0 =	vadd.f32 v2, v0;
	v1 =	vadd.f32 v6, v1;
	v2 =	vshll.u32 v3, $0x10  }
0x39: {  	v6 =	vadd.s32 $0x3E8, v12;
	v3 =	vand.u32 $0xFFFF0000, v3;
	v11 =	vld [tilespmem:s25+$0xFFFFFF80];
	v2 =	vadd.f32 v2, v4  }
0x3a: {  	v4 =	vld [tilespmem:s25+$0x80];
	v3 =	vadd.f32 v3, v0;
	v1 =	vadd.f32 v7, v1  }
0x3b: {  	v0 =	vadd.s32 $0x3E8, v10;
	v7 =	vld [tilespmem:s25+$0x0]  }
0x3c: {  	v12 =	vld.idx.msk [tilespmem:v12+s2+$0x0], $0xffff  }
0x3d: {  	v13 =	vadd.s32 $0x3E8, v5;
	v10 =	vld.idx.msk [tilespmem:v10+s2+$0x0], $0xffff  }
0x3e: {  	v6 =	vld.idx.msk [tilespmem:v6+s2+$0x0], $0xffff  }
0x3f: {  	v14 =	vadd.s32 $0x3E8, v11;
	v5 =	vld.idx.msk [tilespmem:v5+s2+$0x0], $0xffff  }
0x40: {  	v15 =	vld.idx.msk [tilespmem:v0+s2+$0x0], $0xffff  }
0x41: {  	v16 =	vadd.s32 $0x3E8, v7;
	v11 =	vld.idx.msk [tilespmem:v11+s2+$0x0], $0xffff  }
0x42: {  	v0 =	vshll.u32 v12, $0x10;
	v13 =	vld.idx.msk [tilespmem:v13+s2+$0x0], $0xffff  }
0x43: {  	v17 =	vadd.s32 $0x3E8, v4;
	v12 =	vand.u32 $0xFFFF0000, v12;
	v2 =	vadd.f32 v0, v2;
	v0 =	vld.idx.msk [tilespmem:v7+s2+$0x0], $0xffff  }
0x44: {  	v3 =	vadd.f32 v12, v3;
	v6 =	vadd.f32 v6, v1;
	v1 =	vshll.u32 v10, $0x10;
	v12 =	vld.idx.msk [tilespmem:v14+s2+$0x0], $0xffff  }
0x45: {  	v7 =	vand.u32 $0xFFFF0000, v10;
	v2 =	vadd.f32 v1, v2;
	v14 =	vadd.s32 $0x3E8, v8;
	v1 =	vld.idx.msk [tilespmem:v4+s2+$0x0], $0xffff  }
.Ltmp0:
0x46: {  	v3 =	vadd.f32 v7, v3;
	v7 =	vshll.u32 v5, $0x10;
	v6 =	vadd.f32 v15, v6;
	v4 =	vld.idx.msk [tilespmem:v16+s2+$0x0], $0xffff;
	(pc) =	sbr.rel @p0 .LBB2_3-.Ltmp0, $4  }
0x47: {  	v5 =	vand.u32 $0xFFFF0000, v5;
	v10 =	vadd.f32 v7, v2;
	v7 =	vadd.s32 $0x3E8, v9;
	v2 =	vld.idx.msk [tilespmem:v8+s2+$0x0], $0xffff  }
0x48: {  	v15 =	vadd.f32 v5, v3;
	v3 =	vshll.u32 v11, $0x10;
	v6 =	vadd.f32 v13, v6;
	v5 =	vld.idx.msk [tilespmem:v17+s2+$0x0], $0xffff  }
0x49: {  	v8 =	vadd.f32 v3, v10;
	v10 =	vand.u32 $0xFFFF0000, v11;
	v3 =	vld.idx.msk [tilespmem:v9+s2+$0x0], $0xffff  }
0x4a: {  	s25 =	sadd.s32 $0x1000, s25;
	v11 =	vshll.u32 v0, $0x10;
	v10 =	vadd.f32 v10, v15;
	v9 =	vadd.f32 v12, v6;
	v6 =	vld.idx.msk [tilespmem:v14+s2+$0x0], $0xffff  }
0x4b: {  	_ = 	snop  }
0x4c: {  	v8 =	vadd.f32 v11, v8;
	v0 =	vand.u32 $0xFFFF0000, v0  }
0x4d: {  	v57 =	vshll.u32 v1, $0x10;
	v0 =	vadd.f32 v0, v10  }
0x4e: {  	v58 =	vand.u32 $0xFFFF0000, v1;
	v4 =	vadd.f32 v4, v9;
	v8 =	vadd.f32 v57, v8  }
0x4f: {  	v7 =	vld.idx.msk [tilespmem:v7+s2+$0x0], $0xffff;
	v59 =	vshll.u32 v2, $0x10;
	v0 =	vadd.f32 v58, v0  }
0x50: {  	s24 =	sshll.u32 s22, $0x6;
	s22 =	sadd.s32 $0x1, s22;
	v60 =	vand.u32 $0xFFFF0000, v2;
	v4 =	vadd.f32 v5, v4;
	v1 =	vadd.f32 v59, v8  }
0x51: {  	p0 =	sne.s32 s22, $0x20;
	v61 =	vshll.u32 v3, $0x10;
	v0 =	vadd.f32 v60, v0  }
.Ltmp1:
0x52: {  	s24 =	sand.u32 $0x600, s24;
	v62 =	vand.u32 $0xFFFF0000, v3;
	v4 =	vadd.f32 v6, v4;
	v1 =	vadd.f32 v61, v1;
	(pc) =	sbr.rel @p0 .LBB2_2-.Ltmp1, $4  }
0x53: {  	s23 =	sor.u32 s23, s24;
	v0 =	vadd.f32 v62, v0  }
0x54: {  	v63 =	vadd.f32 v7, v4;
	[tilespmem:s23+$0xA800] =	vst v1  }
0x55: {  	[tilespmem:s23+$0xA880] =	vst v0  }
0x56: {  	s21 =	sadd.s32 $0x80, s21;
	s20 =	sadd.s32 $0x1, s20;
	[tilespmem:s23+$0xA900] =	vst v63  }
0x57: {  	_ =	swait.ge [sflag:s17], $0x5000  }
0x58: {  	s20 =	simm.s32 $0x0;
	[sflag:s17] =	ssyncset.done $0x0  }
0x59: {  	s21 =	simm.s32 $0x0;
	s22 =	simm.s32 $0x0;
	[sflag:s17] =	ssyncadd.s32 $0xFFFFB000  }
0x5a: {  	[tilespmem:s14], [sflag:$0x1] =	stream.strided.gather [hbm4b:s6+s12], $0x5000, s13, s12, $0x38;
	[tilespmem:$0xB000] =	vst v63  }
.LBB2_6:
0x5b: {  	s23 =	sshll.u32 s21, $0x2;
	s24 =	sand.u32 $0x7, s20  }
0x5c: {  	s23 =	sand.u32 $0xFFFFF000, s23;
	s24 =	sshll.u32 s24, $0x6  }
0x5d: {  	s23 =	sor.u32 s24, s23  }
0x5e: {  	s23 =	sshrl.u32 s23, $0x2  }
0x5f: {  	s25 =	sadd.s32 $0x5A00, s23  }
0x60: {  	v0 =	vld [tilespmem:s25+$0xFFFFFE00]  }
0x61: {  	v1 =	vld [tilespmem:s25+$0xFFFFFE80]  }
0x62: {  	v2 =	vld [tilespmem:s25+$0xFFFFFF00]  }
0x63: {  	v3 =	vld [tilespmem:s25+$0x180]  }
0x64: {  	v6 =	vld [tilespmem:s25+$0xFFFFFF80]  }
0x65: {  	v4 =	vld [tilespmem:s25+$0x100]  }
0x66: {  	v7 =	vld [tilespmem:s25+$0x80];
	v5 =	vadd.s32 $0x3E8, v0  }
0x67: {  	v9 =	vld [tilespmem:s25+$0x0]  }
0x68: {  	v8 =	vadd.s32 $0x3E8, v1;
	v0 =	vld.idx.msk [tilespmem:v0+s2+$0x0], $0xffff  }
0x69: {  	v10 =	vld.idx.msk [tilespmem:v1+s2+$0x0], $0xffff;
	v1 =	vadd.s32 $0x3E8, v2  }
0x6a: {  	v2 =	vld.idx.msk [tilespmem:v2+s2+$0x0], $0xffff  }
0x6b: {  	v11 =	vadd.s32 $0x3E8, v6;
	v5 =	vld.idx.msk [tilespmem:v5+s2+$0x0], $0xffff  }
0x6c: {  	v6 =	vld.idx.msk [tilespmem:v6+s2+$0x0], $0xffff  }
0x6d: {  	v13 =	vimm.f32 $0.0e+00;
	v8 =	vld.idx.msk [tilespmem:v8+s2+$0x0], $0xffff  }
0x6e: {  	v12 =	vadd.s32 $0x3E8, v9;
	v14 =	vshll.u32 v0, $0x10;
	v15 =	vld.idx.msk [tilespmem:v1+s2+$0x0], $0xffff;
	v0 =	vand.u32 $0xFFFF0000, v0  }
0x6f: {  	v1 =	vld.idx.msk [tilespmem:v9+s2+$0x0], $0xffff;
	v9 =	vadd.s32 $0x3E8, v7;
	v14 =	vadd.f32 v14, v13;
	v16 =	vadd.f32 v0, v13  }
0x70: {  	v11 =	vld.idx.msk [tilespmem:v11+s2+$0x0], $0xffff;
	v0 =	vshll.u32 v10, $0x10;
	v10 =	vand.u32 $0xFFFF0000, v10;
	v5 =	vadd.f32 v5, v13  }
0x71: {  	v61 =	vadd.s32 $0x3E8, v4;
	v60 =	vadd.f32 v0, v14;
	v0 =	vld.idx.msk [tilespmem:v7+s2+$0x0], $0xffff;
	v7 =	vadd.f32 v10, v16  }
0x72: {  	v62 =	vand.u32 $0xFFFF0000, v2;
	v10 =	vshll.u32 v2, $0x10;
	v2 =	vld.idx.msk [tilespmem:v4+s2+$0x0], $0xffff;
	v8 =	vadd.f32 v8, v5  }
0x73: {  	v5 =	vld.idx.msk [tilespmem:v12+s2+$0x0], $0xffff;
	v10 =	vadd.f32 v10, v60;
	v12 =	vadd.f32 v62, v7;
	v7 =	vadd.s32 $0x3E8, v3  }
0x74: {  	v4 =	vld.idx.msk [tilespmem:v9+s2+$0x0], $0xffff;
	v63 =	vadd.f32 v15, v8;
	v8 =	vshll.u32 v6, $0x10  }
0x75: {  	s31 =	sshll.u32 s22, $0x4;
	v3 =	vld.idx.msk [tilespmem:v3+s2+$0x0], $0xffff;
	v6 =	vand.u32 $0xFFFF0000, v6;
	v8 =	vadd.f32 v8, v10  }
0x76: {  	s24 =	simm.s32 $0x0;
	s23 =	sand.u32 $0x70, s31;
	s25 =	sadd.s32 $0x1000, s25;
	v10 =	vadd.f32 v6, v12;
	v6 =	vld.idx.msk [tilespmem:v61+s2+$0x0], $0xffff;
	v9 =	vadd.f32 v11, v63;
	v11 =	vshll.u32 v1, $0x10  }
.LBB2_7:
0x77: {  	v12 =	vld [tilespmem:s25+$0xFFFFFE00];
	v8 =	vadd.f32 v11, v8;
	v1 =	vand.u32 $0xFFFF0000, v1  }
0x78: {  	s24 =	sadd.s32 $0x8, s24;
	v1 =	vadd.f32 v1, v10;
	v5 =	vadd.f32 v5, v9;
	v9 =	vshll.u32 v0, $0x10;
	v7 =	vld.idx.msk [tilespmem:v7+s2+$0x0], $0xffff  }
0x79: {  	p0 =	slt.u32 s24, $0x20;
	v0 =	vand.u32 $0xFFFF0000, v0;
	v10 =	vld [tilespmem:s25+$0xFFFFFE80];
	v8 =	vadd.f32 v9, v8  }
0x7a: {  	v9 =	vld [tilespmem:s25+$0x180];
	v0 =	vadd.f32 v0, v1;
	v1 =	vadd.f32 v4, v5;
	v4 =	vshll.u32 v2, $0x10  }
0x7b: {  	v2 =	vand.u32 $0xFFFF0000, v2;
	v5 =	vld [tilespmem:s25+$0xFFFFFF00];
	v4 =	vadd.f32 v4, v8  }
0x7c: {  	v8 =	vld [tilespmem:s25+$0x100];
	v0 =	vadd.f32 v2, v0;
	v1 =	vadd.f32 v6, v1;
	v2 =	vshll.u32 v3, $0x10  }
0x7d: {  	v6 =	vadd.s32 $0x3E8, v12;
	v3 =	vand.u32 $0xFFFF0000, v3;
	v11 =	vld [tilespmem:s25+$0xFFFFFF80];
	v2 =	vadd.f32 v2, v4  }
0x7e: {  	v4 =	vld [tilespmem:s25+$0x80];
	v0 =	vadd.f32 v3, v0;
	v3 =	vadd.f32 v7, v1  }
0x7f: {  	v1 =	vadd.s32 $0x3E8, v10;
	v7 =	vld [tilespmem:s25+$0x0]  }
0x80: {  	v12 =	vld.idx.msk [tilespmem:v12+s2+$0x0], $0xffff  }
0x81: {  	v13 =	vadd.s32 $0x3E8, v5;
	v10 =	vld.idx.msk [tilespmem:v10+s2+$0x0], $0xffff  }
0x82: {  	v6 =	vld.idx.msk [tilespmem:v6+s2+$0x0], $0xffff  }
0x83: {  	v14 =	vld.idx.msk [tilespmem:v5+s2+$0x0], $0xffff;
	v5 =	vadd.s32 $0x3E8, v11  }
0x84: {  	v15 =	vld.idx.msk [tilespmem:v1+s2+$0x0], $0xffff  }
0x85: {  	v16 =	vadd.s32 $0x3E8, v7;
	v11 =	vld.idx.msk [tilespmem:v11+s2+$0x0], $0xffff  }
0x86: {  	v1 =	vshll.u32 v12, $0x10;
	v13 =	vld.idx.msk [tilespmem:v13+s2+$0x0], $0xffff  }
0x87: {  	v17 =	vadd.s32 $0x3E8, v4;
	v12 =	vand.u32 $0xFFFF0000, v12;
	v2 =	vadd.f32 v1, v2;
	v1 =	vld.idx.msk [tilespmem:v7+s2+$0x0], $0xffff  }
0x88: {  	v7 =	vadd.f32 v12, v0;
	v3 =	vadd.f32 v6, v3;
	v0 =	vshll.u32 v10, $0x10;
	v6 =	vld.idx.msk [tilespmem:v5+s2+$0x0], $0xffff  }
0x89: {  	v12 =	vadd.s32 $0x3E8, v8;
	v2 =	vadd.f32 v0, v2;
	v5 =	vand.u32 $0xFFFF0000, v10;
	v0 =	vld.idx.msk [tilespmem:v4+s2+$0x0], $0xffff  }
.Ltmp2:
0x8a: {  	v4 =	vadd.f32 v5, v7;
	v3 =	vadd.f32 v15, v3;
	v7 =	vshll.u32 v14, $0x10;
	v5 =	vld.idx.msk [tilespmem:v16+s2+$0x0], $0xffff;
	(pc) =	sbr.rel @p0 .LBB2_7-.Ltmp2, $4  }
0x8b: {  	v14 =	vand.u32 $0xFFFF0000, v14;
	v10 =	vadd.f32 v7, v2;
	v7 =	vadd.s32 $0x3E8, v9;
	v2 =	vld.idx.msk [tilespmem:v8+s2+$0x0], $0xffff  }
0x8c: {  	v14 =	vadd.f32 v14, v4;
	v13 =	vadd.f32 v13, v3;
	v3 =	vshll.u32 v11, $0x10;
	v4 =	vld.idx.msk [tilespmem:v17+s2+$0x0], $0xffff  }
0x8d: {  	v8 =	vadd.f32 v3, v10;
	v10 =	vand.u32 $0xFFFF0000, v11;
	v3 =	vld.idx.msk [tilespmem:v9+s2+$0x0], $0xffff  }
0x8e: {  	s25 =	sadd.s32 $0x1000, s25;
	v11 =	vshll.u32 v1, $0x10;
	v10 =	vadd.f32 v10, v14;
	v9 =	vadd.f32 v6, v13;
	v6 =	vld.idx.msk [tilespmem:v12+s2+$0x0], $0xffff  }
0x8f: {  	_ =	sdelay $0x1  }
0x90: {  	v8 =	vadd.f32 v11, v8;
	v1 =	vand.u32 $0xFFFF0000, v1;
	s24 =	sshll.u32 s22, $0x6  }
0x91: {  	v53 =	vshll.u32 v0, $0x10;
	v1 =	vadd.f32 v1, v10;
	s24 =	sand.u32 $0x600, s24  }
0x92: {  	v7 =	vld.idx.msk [tilespmem:v7+s2+$0x0], $0xffff;
	v54 =	vand.u32 $0xFFFF0000, v0;
	v5 =	vadd.f32 v5, v9;
	v8 =	vadd.f32 v53, v8;
	s23 =	sor.u32 s23, s24  }
0x93: {  	v55 =	vshll.u32 v2, $0x10;
	v0 =	vadd.f32 v54, v1;
	v56 =	vld [tilespmem:s23+$0xA800]  }
0x94: {  	v57 =	vand.u32 $0xFFFF0000, v2;
	v4 =	vadd.f32 v4, v5;
	v58 =	vld [tilespmem:s23+$0xA880];
	v1 =	vadd.f32 v55, v8  }
0x95: {  	v59 =	vshll.u32 v3, $0x10;
	v60 =	vld [tilespmem:s23+$0xA900];
	v0 =	vadd.f32 v57, v0  }
0x96: {  	s22 =	sadd.s32 $0x1, s22;
	v61 =	vand.u32 $0xFFFF0000, v3;
	v4 =	vadd.f32 v6, v4;
	v1 =	vadd.f32 v59, v1  }
0x97: {  	p0 =	sne.s32 s22, $0x20;
	v0 =	vadd.f32 v61, v0  }
.Ltmp3:
0x98: {  	v62 =	vadd.f32 v7, v4;
	v1 =	vadd.f32 v56, v1;
	(pc) =	sbr.rel @p0 .LBB2_6-.Ltmp3, $4  }
0x99: {  	v0 =	vadd.f32 v58, v0  }
0x9a: {  	v63 =	vadd.f32 v60, v62;
	[tilespmem:s23+$0xA800] =	vst v1  }
0x9b: {  	[tilespmem:s23+$0xA880] =	vst v0  }
0x9c: {  	s21 =	sadd.s32 $0x80, s21;
	s20 =	sadd.s32 $0x1, s20;
	[tilespmem:s23+$0xA900] =	vst v63  }
0x9d: {  	_ =	swait.ge [sflag:s15], $0x5000  }
0x9e: {  	s20 =	simm.s32 $0x0;
	[sflag:s15] =	ssyncset.done $0x0  }
0x9f: {  	s21 =	simm.s32 $0x0;
	s22 =	simm.s32 $0x0;
	[sflag:s15] =	ssyncadd.s32 $0xFFFFB000  }
0xa0: {  	[tilespmem:s16], [sflag:$0x2] =	stream.strided.gather [hbm4b:s7+s12], $0x5000, s13, s12, $0x38;
	[tilespmem:$0xB000] =	vst v63  }
.LBB2_10:
0xa1: {  	s23 =	sshll.u32 s21, $0x2;
	s24 =	sand.u32 $0x7, s20  }
0xa2: {  	s23 =	sand.u32 $0xFFFFF000, s23;
	s24 =	sshll.u32 s24, $0x6  }
0xa3: {  	s23 =	sor.u32 s24, s23  }
0xa4: {  	s23 =	sshrl.u32 s23, $0x2  }
0xa5: {  	s25 =	sadd.s32 $0xA00, s23  }
0xa6: {  	v0 =	vld [tilespmem:s25+$0xFFFFFE00]  }
0xa7: {  	v1 =	vld [tilespmem:s25+$0xFFFFFE80]  }
0xa8: {  	v2 =	vld [tilespmem:s25+$0xFFFFFF00]  }
0xa9: {  	v3 =	vld [tilespmem:s25+$0x180]  }
0xaa: {  	v6 =	vld [tilespmem:s25+$0xFFFFFF80]  }
0xab: {  	v4 =	vld [tilespmem:s25+$0x100]  }
0xac: {  	v7 =	vld [tilespmem:s25+$0x80];
	v5 =	vadd.s32 $0x3E8, v0  }
0xad: {  	v9 =	vld [tilespmem:s25+$0x0]  }
0xae: {  	v8 =	vadd.s32 $0x3E8, v1;
	v0 =	vld.idx.msk [tilespmem:v0+s2+$0x0], $0xffff  }
0xaf: {  	v10 =	vld.idx.msk [tilespmem:v1+s2+$0x0], $0xffff;
	v1 =	vadd.s32 $0x3E8, v2  }
0xb0: {  	v2 =	vld.idx.msk [tilespmem:v2+s2+$0x0], $0xffff  }
0xb1: {  	v11 =	vadd.s32 $0x3E8, v6;
	v5 =	vld.idx.msk [tilespmem:v5+s2+$0x0], $0xffff  }
0xb2: {  	v6 =	vld.idx.msk [tilespmem:v6+s2+$0x0], $0xffff  }
0xb3: {  	v13 =	vimm.f32 $0.0e+00;
	v8 =	vld.idx.msk [tilespmem:v8+s2+$0x0], $0xffff  }
0xb4: {  	v12 =	vadd.s32 $0x3E8, v9;
	v14 =	vshll.u32 v0, $0x10;
	v15 =	vld.idx.msk [tilespmem:v1+s2+$0x0], $0xffff;
	v0 =	vand.u32 $0xFFFF0000, v0  }
0xb5: {  	v1 =	vld.idx.msk [tilespmem:v9+s2+$0x0], $0xffff;
	v9 =	vadd.s32 $0x3E8, v7;
	v14 =	vadd.f32 v14, v13;
	v16 =	vadd.f32 v0, v13  }
0xb6: {  	v11 =	vld.idx.msk [tilespmem:v11+s2+$0x0], $0xffff;
	v0 =	vshll.u32 v10, $0x10;
	v10 =	vand.u32 $0xFFFF0000, v10;
	v5 =	vadd.f32 v5, v13  }
0xb7: {  	v61 =	vadd.s32 $0x3E8, v4;
	v60 =	vadd.f32 v0, v14;
	v0 =	vld.idx.msk [tilespmem:v7+s2+$0x0], $0xffff;
	v7 =	vadd.f32 v10, v16  }
0xb8: {  	v62 =	vand.u32 $0xFFFF0000, v2;
	v10 =	vshll.u32 v2, $0x10;
	v2 =	vld.idx.msk [tilespmem:v4+s2+$0x0], $0xffff;
	v8 =	vadd.f32 v8, v5  }
0xb9: {  	v5 =	vld.idx.msk [tilespmem:v12+s2+$0x0], $0xffff;
	v10 =	vadd.f32 v10, v60;
	v12 =	vadd.f32 v62, v7;
	v7 =	vadd.s32 $0x3E8, v3  }
0xba: {  	v4 =	vld.idx.msk [tilespmem:v9+s2+$0x0], $0xffff;
	v63 =	vadd.f32 v15, v8;
	v8 =	vshll.u32 v6, $0x10  }
0xbb: {  	s31 =	sshll.u32 s22, $0x4;
	v3 =	vld.idx.msk [tilespmem:v3+s2+$0x0], $0xffff;
	v6 =	vand.u32 $0xFFFF0000, v6;
	v8 =	vadd.f32 v8, v10  }
0xbc: {  	s24 =	simm.s32 $0x0;
	s23 =	sand.u32 $0x70, s31;
	s25 =	sadd.s32 $0x1000, s25;
	v10 =	vadd.f32 v6, v12;
	v6 =	vld.idx.msk [tilespmem:v61+s2+$0x0], $0xffff;
	v9 =	vadd.f32 v11, v63;
	v11 =	vshll.u32 v1, $0x10  }
.LBB2_11:
0xbd: {  	v12 =	vld [tilespmem:s25+$0xFFFFFE00];
	v8 =	vadd.f32 v11, v8;
	v1 =	vand.u32 $0xFFFF0000, v1  }
0xbe: {  	s24 =	sadd.s32 $0x8, s24;
	v1 =	vadd.f32 v1, v10;
	v5 =	vadd.f32 v5, v9;
	v9 =	vshll.u32 v0, $0x10;
	v7 =	vld.idx.msk [tilespmem:v7+s2+$0x0], $0xffff  }
0xbf: {  	p0 =	slt.u32 s24, $0x20;
	v0 =	vand.u32 $0xFFFF0000, v0;
	v10 =	vld [tilespmem:s25+$0xFFFFFE80];
	v8 =	vadd.f32 v9, v8  }
0xc0: {  	v9 =	vld [tilespmem:s25+$0x180];
	v0 =	vadd.f32 v0, v1;
	v1 =	vadd.f32 v4, v5;
	v4 =	vshll.u32 v2, $0x10  }
0xc1: {  	v2 =	vand.u32 $0xFFFF0000, v2;
	v5 =	vld [tilespmem:s25+$0xFFFFFF00];
	v4 =	vadd.f32 v4, v8  }
0xc2: {  	v8 =	vld [tilespmem:s25+$0x100];
	v0 =	vadd.f32 v2, v0;
	v1 =	vadd.f32 v6, v1;
	v2 =	vshll.u32 v3, $0x10  }
0xc3: {  	v6 =	vadd.s32 $0x3E8, v12;
	v3 =	vand.u32 $0xFFFF0000, v3;
	v11 =	vld [tilespmem:s25+$0xFFFFFF80];
	v2 =	vadd.f32 v2, v4  }
0xc4: {  	v4 =	vld [tilespmem:s25+$0x80];
	v0 =	vadd.f32 v3, v0;
	v3 =	vadd.f32 v7, v1  }
0xc5: {  	v1 =	vadd.s32 $0x3E8, v10;
	v7 =	vld [tilespmem:s25+$0x0]  }
0xc6: {  	v12 =	vld.idx.msk [tilespmem:v12+s2+$0x0], $0xffff  }
0xc7: {  	v13 =	vadd.s32 $0x3E8, v5;
	v10 =	vld.idx.msk [tilespmem:v10+s2+$0x0], $0xffff  }
0xc8: {  	v6 =	vld.idx.msk [tilespmem:v6+s2+$0x0], $0xffff  }
0xc9: {  	v14 =	vld.idx.msk [tilespmem:v5+s2+$0x0], $0xffff;
	v5 =	vadd.s32 $0x3E8, v11  }
0xca: {  	v15 =	vld.idx.msk [tilespmem:v1+s2+$0x0], $0xffff  }
0xcb: {  	v16 =	vadd.s32 $0x3E8, v7;
	v11 =	vld.idx.msk [tilespmem:v11+s2+$0x0], $0xffff  }
0xcc: {  	v1 =	vshll.u32 v12, $0x10;
	v13 =	vld.idx.msk [tilespmem:v13+s2+$0x0], $0xffff  }
0xcd: {  	v17 =	vadd.s32 $0x3E8, v4;
	v12 =	vand.u32 $0xFFFF0000, v12;
	v2 =	vadd.f32 v1, v2;
	v1 =	vld.idx.msk [tilespmem:v7+s2+$0x0], $0xffff  }
0xce: {  	v7 =	vadd.f32 v12, v0;
	v3 =	vadd.f32 v6, v3;
	v0 =	vshll.u32 v10, $0x10;
	v6 =	vld.idx.msk [tilespmem:v5+s2+$0x0], $0xffff  }
0xcf: {  	v12 =	vadd.s32 $0x3E8, v8;
	v2 =	vadd.f32 v0, v2;
	v5 =	vand.u32 $0xFFFF0000, v10;
	v0 =	vld.idx.msk [tilespmem:v4+s2+$0x0], $0xffff  }
.Ltmp4:
0xd0: {  	v4 =	vadd.f32 v5, v7;
	v3 =	vadd.f32 v15, v3;
	v7 =	vshll.u32 v14, $0x10;
	v5 =	vld.idx.msk [tilespmem:v16+s2+$0x0], $0xffff;
	(pc) =	sbr.rel @p0 .LBB2_11-.Ltmp4, $4  }
0xd1: {  	v14 =	vand.u32 $0xFFFF0000, v14;
	v10 =	vadd.f32 v7, v2;
	v7 =	vadd.s32 $0x3E8, v9;
	v2 =	vld.idx.msk [tilespmem:v8+s2+$0x0], $0xffff  }
0xd2: {  	v14 =	vadd.f32 v14, v4;
	v13 =	vadd.f32 v13, v3;
	v3 =	vshll.u32 v11, $0x10;
	v4 =	vld.idx.msk [tilespmem:v17+s2+$0x0], $0xffff  }
0xd3: {  	v8 =	vadd.f32 v3, v10;
	v10 =	vand.u32 $0xFFFF0000, v11;
	v3 =	vld.idx.msk [tilespmem:v9+s2+$0x0], $0xffff  }
0xd4: {  	s25 =	sadd.s32 $0x1000, s25;
	v11 =	vshll.u32 v1, $0x10;
	v10 =	vadd.f32 v10, v14;
	v9 =	vadd.f32 v6, v13;
	v6 =	vld.idx.msk [tilespmem:v12+s2+$0x0], $0xffff  }
0xd5: {  	_ =	sdelay $0x1  }
0xd6: {  	v8 =	vadd.f32 v11, v8;
	v1 =	vand.u32 $0xFFFF0000, v1;
	s24 =	sshll.u32 s22, $0x6  }
0xd7: {  	v53 =	vshll.u32 v0, $0x10;
	v1 =	vadd.f32 v1, v10;
	s24 =	sand.u32 $0x600, s24  }
0xd8: {  	v7 =	vld.idx.msk [tilespmem:v7+s2+$0x0], $0xffff;
	v54 =	vand.u32 $0xFFFF0000, v0;
	v5 =	vadd.f32 v5, v9;
	v8 =	vadd.f32 v53, v8;
	s23 =	sor.u32 s23, s24  }
0xd9: {  	v55 =	vshll.u32 v2, $0x10;
	v0 =	vadd.f32 v54, v1;
	v56 =	vld [tilespmem:s23+$0xA800]  }
0xda: {  	v57 =	vand.u32 $0xFFFF0000, v2;
	v4 =	vadd.f32 v4, v5;
	v58 =	vld [tilespmem:s23+$0xA880];
	v1 =	vadd.f32 v55, v8  }
0xdb: {  	v59 =	vshll.u32 v3, $0x10;
	v60 =	vld [tilespmem:s23+$0xA900];
	v0 =	vadd.f32 v57, v0  }
0xdc: {  	s22 =	sadd.s32 $0x1, s22;
	v61 =	vand.u32 $0xFFFF0000, v3;
	v4 =	vadd.f32 v6, v4;
	v1 =	vadd.f32 v59, v1  }
0xdd: {  	p0 =	sne.s32 s22, $0x20;
	v0 =	vadd.f32 v61, v0  }
.Ltmp5:
0xde: {  	v62 =	vadd.f32 v7, v4;
	v1 =	vadd.f32 v56, v1;
	(pc) =	sbr.rel @p0 .LBB2_10-.Ltmp5, $4  }
0xdf: {  	v0 =	vadd.f32 v58, v0  }
0xe0: {  	v63 =	vadd.f32 v60, v62;
	[tilespmem:s23+$0xA800] =	vst v1  }
0xe1: {  	[tilespmem:s23+$0xA880] =	vst v0  }
0xe2: {  	s21 =	sadd.s32 $0x80, s21;
	s20 =	sadd.s32 $0x1, s20;
	[tilespmem:s23+$0xA900] =	vst v63  }
0xe3: {  	_ =	swait.ge [sflag:s17], $0x5000  }
0xe4: {  	s20 =	simm.s32 $0x0;
	[sflag:s17] =	ssyncset.done $0x0  }
0xe5: {  	s21 =	simm.s32 $0x0;
	s22 =	simm.s32 $0x0;
	[sflag:s17] =	ssyncadd.s32 $0xFFFFB000  }
0xe6: {  	[tilespmem:s14], [sflag:$0x1] =	stream.strided.gather [hbm4b:s8+s12], $0x5000, s13, s12, $0x38;
	[tilespmem:$0xB000] =	vst v63  }
.LBB2_14:
0xe7: {  	s23 =	sshll.u32 s21, $0x2;
	s24 =	sand.u32 $0x7, s20  }
0xe8: {  	s23 =	sand.u32 $0xFFFFF000, s23;
	s24 =	sshll.u32 s24, $0x6  }
0xe9: {  	s23 =	sor.u32 s24, s23  }
0xea: {  	s23 =	sshrl.u32 s23, $0x2  }
0xeb: {  	s25 =	sadd.s32 $0x5A00, s23  }
0xec: {  	v0 =	vld [tilespmem:s25+$0xFFFFFE00]  }
0xed: {  	v1 =	vld [tilespmem:s25+$0xFFFFFE80]  }
0xee: {  	v2 =	vld [tilespmem:s25+$0xFFFFFF00]  }
0xef: {  	v3 =	vld [tilespmem:s25+$0x180]  }
0xf0: {  	v6 =	vld [tilespmem:s25+$0xFFFFFF80]  }
0xf1: {  	v4 =	vld [tilespmem:s25+$0x100]  }
0xf2: {  	v7 =	vld [tilespmem:s25+$0x80];
	v5 =	vadd.s32 $0x3E8, v0  }
0xf3: {  	v9 =	vld [tilespmem:s25+$0x0]  }
0xf4: {  	v8 =	vadd.s32 $0x3E8, v1;
	v0 =	vld.idx.msk [tilespmem:v0+s2+$0x0], $0xffff  }
0xf5: {  	v10 =	vld.idx.msk [tilespmem:v1+s2+$0x0], $0xffff;
	v1 =	vadd.s32 $0x3E8, v2  }
0xf6: {  	v2 =	vld.idx.msk [tilespmem:v2+s2+$0x0], $0xffff  }
0xf7: {  	v11 =	vadd.s32 $0x3E8, v6;
	v5 =	vld.idx.msk [tilespmem:v5+s2+$0x0], $0xffff  }
0xf8: {  	v6 =	vld.idx.msk [tilespmem:v6+s2+$0x0], $0xffff  }
0xf9: {  	v13 =	vimm.f32 $0.0e+00;
	v8 =	vld.idx.msk [tilespmem:v8+s2+$0x0], $0xffff  }
0xfa: {  	v12 =	vadd.s32 $0x3E8, v9;
	v14 =	vshll.u32 v0, $0x10;
	v15 =	vld.idx.msk [tilespmem:v1+s2+$0x0], $0xffff;
	v0 =	vand.u32 $0xFFFF0000, v0  }
0xfb: {  	v1 =	vld.idx.msk [tilespmem:v9+s2+$0x0], $0xffff;
	v9 =	vadd.s32 $0x3E8, v7;
	v14 =	vadd.f32 v14, v13;
	v16 =	vadd.f32 v0, v13  }
0xfc: {  	v11 =	vld.idx.msk [tilespmem:v11+s2+$0x0], $0xffff;
	v0 =	vshll.u32 v10, $0x10;
	v10 =	vand.u32 $0xFFFF0000, v10;
	v5 =	vadd.f32 v5, v13  }
0xfd: {  	v61 =	vadd.s32 $0x3E8, v4;
	v60 =	vadd.f32 v0, v14;
	v0 =	vld.idx.msk [tilespmem:v7+s2+$0x0], $0xffff;
	v7 =	vadd.f32 v10, v16  }
0xfe: {  	v62 =	vand.u32 $0xFFFF0000, v2;
	v10 =	vshll.u32 v2, $0x10;
	v2 =	vld.idx.msk [tilespmem:v4+s2+$0x0], $0xffff;
	v8 =	vadd.f32 v8, v5  }
0xff: {  	v5 =	vld.idx.msk [tilespmem:v12+s2+$0x0], $0xffff;
	v10 =	vadd.f32 v10, v60;
	v12 =	vadd.f32 v62, v7;
	v7 =	vadd.s32 $0x3E8, v3  }
0x100: {  	v4 =	vld.idx.msk [tilespmem:v9+s2+$0x0], $0xffff;
	v63 =	vadd.f32 v15, v8;
	v8 =	vshll.u32 v6, $0x10  }
0x101: {  	s31 =	sshll.u32 s22, $0x4;
	v3 =	vld.idx.msk [tilespmem:v3+s2+$0x0], $0xffff;
	v6 =	vand.u32 $0xFFFF0000, v6;
	v8 =	vadd.f32 v8, v10  }
0x102: {  	s24 =	simm.s32 $0x0;
	s23 =	sand.u32 $0x70, s31;
	s25 =	sadd.s32 $0x1000, s25;
	v10 =	vadd.f32 v6, v12;
	v6 =	vld.idx.msk [tilespmem:v61+s2+$0x0], $0xffff;
	v9 =	vadd.f32 v11, v63;
	v11 =	vshll.u32 v1, $0x10  }
.LBB2_15:
0x103: {  	v12 =	vld [tilespmem:s25+$0xFFFFFE00];
	v8 =	vadd.f32 v11, v8;
	v1 =	vand.u32 $0xFFFF0000, v1  }
0x104: {  	s24 =	sadd.s32 $0x8, s24;
	v1 =	vadd.f32 v1, v10;
	v5 =	vadd.f32 v5, v9;
	v9 =	vshll.u32 v0, $0x10;
	v7 =	vld.idx.msk [tilespmem:v7+s2+$0x0], $0xffff  }
0x105: {  	p0 =	slt.u32 s24, $0x20;
	v0 =	vand.u32 $0xFFFF0000, v0;
	v10 =	vld [tilespmem:s25+$0xFFFFFE80];
	v8 =	vadd.f32 v9, v8  }
0x106: {  	v9 =	vld [tilespmem:s25+$0x180];
	v0 =	vadd.f32 v0, v1;
	v1 =	vadd.f32 v4, v5;
	v4 =	vshll.u32 v2, $0x10  }
0x107: {  	v2 =	vand.u32 $0xFFFF0000, v2;
	v5 =	vld [tilespmem:s25+$0xFFFFFF00];
	v4 =	vadd.f32 v4, v8  }
0x108: {  	v8 =	vld [tilespmem:s25+$0x100];
	v0 =	vadd.f32 v2, v0;
	v1 =	vadd.f32 v6, v1;
	v2 =	vshll.u32 v3, $0x10  }
0x109: {  	v6 =	vadd.s32 $0x3E8, v12;
	v3 =	vand.u32 $0xFFFF0000, v3;
	v11 =	vld [tilespmem:s25+$0xFFFFFF80];
	v2 =	vadd.f32 v2, v4  }
0x10a: {  	v4 =	vld [tilespmem:s25+$0x80];
	v0 =	vadd.f32 v3, v0;
	v3 =	vadd.f32 v7, v1  }
0x10b: {  	v1 =	vadd.s32 $0x3E8, v10;
	v7 =	vld [tilespmem:s25+$0x0]  }
0x10c: {  	v12 =	vld.idx.msk [tilespmem:v12+s2+$0x0], $0xffff  }
0x10d: {  	v13 =	vadd.s32 $0x3E8, v5;
	v10 =	vld.idx.msk [tilespmem:v10+s2+$0x0], $0xffff  }
0x10e: {  	v6 =	vld.idx.msk [tilespmem:v6+s2+$0x0], $0xffff  }
0x10f: {  	v14 =	vld.idx.msk [tilespmem:v5+s2+$0x0], $0xffff;
	v5 =	vadd.s32 $0x3E8, v11  }
0x110: {  	v15 =	vld.idx.msk [tilespmem:v1+s2+$0x0], $0xffff  }
0x111: {  	v16 =	vadd.s32 $0x3E8, v7;
	v11 =	vld.idx.msk [tilespmem:v11+s2+$0x0], $0xffff  }
0x112: {  	v1 =	vshll.u32 v12, $0x10;
	v13 =	vld.idx.msk [tilespmem:v13+s2+$0x0], $0xffff  }
0x113: {  	v17 =	vadd.s32 $0x3E8, v4;
	v12 =	vand.u32 $0xFFFF0000, v12;
	v2 =	vadd.f32 v1, v2;
	v1 =	vld.idx.msk [tilespmem:v7+s2+$0x0], $0xffff  }
0x114: {  	v7 =	vadd.f32 v12, v0;
	v3 =	vadd.f32 v6, v3;
	v0 =	vshll.u32 v10, $0x10;
	v6 =	vld.idx.msk [tilespmem:v5+s2+$0x0], $0xffff  }
0x115: {  	v12 =	vadd.s32 $0x3E8, v8;
	v2 =	vadd.f32 v0, v2;
	v5 =	vand.u32 $0xFFFF0000, v10;
	v0 =	vld.idx.msk [tilespmem:v4+s2+$0x0], $0xffff  }
.Ltmp6:
0x116: {  	v4 =	vadd.f32 v5, v7;
	v3 =	vadd.f32 v15, v3;
	v7 =	vshll.u32 v14, $0x10;
	v5 =	vld.idx.msk [tilespmem:v16+s2+$0x0], $0xffff;
	(pc) =	sbr.rel @p0 .LBB2_15-.Ltmp6, $4  }
0x117: {  	v14 =	vand.u32 $0xFFFF0000, v14;
	v10 =	vadd.f32 v7, v2;
	v7 =	vadd.s32 $0x3E8, v9;
	v2 =	vld.idx.msk [tilespmem:v8+s2+$0x0], $0xffff  }
0x118: {  	v14 =	vadd.f32 v14, v4;
	v13 =	vadd.f32 v13, v3;
	v3 =	vshll.u32 v11, $0x10;
	v4 =	vld.idx.msk [tilespmem:v17+s2+$0x0], $0xffff  }
0x119: {  	v8 =	vadd.f32 v3, v10;
	v10 =	vand.u32 $0xFFFF0000, v11;
	v3 =	vld.idx.msk [tilespmem:v9+s2+$0x0], $0xffff  }
0x11a: {  	s25 =	sadd.s32 $0x1000, s25;
	v11 =	vshll.u32 v1, $0x10;
	v10 =	vadd.f32 v10, v14;
	v9 =	vadd.f32 v6, v13;
	v6 =	vld.idx.msk [tilespmem:v12+s2+$0x0], $0xffff  }
0x11b: {  	_ =	sdelay $0x1  }
0x11c: {  	v8 =	vadd.f32 v11, v8;
	v1 =	vand.u32 $0xFFFF0000, v1;
	s24 =	sshll.u32 s22, $0x6  }
0x11d: {  	v53 =	vshll.u32 v0, $0x10;
	v1 =	vadd.f32 v1, v10;
	s24 =	sand.u32 $0x600, s24  }
0x11e: {  	v7 =	vld.idx.msk [tilespmem:v7+s2+$0x0], $0xffff;
	v54 =	vand.u32 $0xFFFF0000, v0;
	v5 =	vadd.f32 v5, v9;
	v8 =	vadd.f32 v53, v8;
	s23 =	sor.u32 s23, s24  }
0x11f: {  	v55 =	vshll.u32 v2, $0x10;
	v0 =	vadd.f32 v54, v1;
	v56 =	vld [tilespmem:s23+$0xA800]  }
0x120: {  	v57 =	vand.u32 $0xFFFF0000, v2;
	v4 =	vadd.f32 v4, v5;
	v58 =	vld [tilespmem:s23+$0xA880];
	v1 =	vadd.f32 v55, v8  }
0x121: {  	v59 =	vshll.u32 v3, $0x10;
	v60 =	vld [tilespmem:s23+$0xA900];
	v0 =	vadd.f32 v57, v0  }
0x122: {  	s22 =	sadd.s32 $0x1, s22;
	v61 =	vand.u32 $0xFFFF0000, v3;
	v4 =	vadd.f32 v6, v4;
	v1 =	vadd.f32 v59, v1  }
0x123: {  	p0 =	sne.s32 s22, $0x20;
	v0 =	vadd.f32 v61, v0  }
.Ltmp7:
0x124: {  	v62 =	vadd.f32 v7, v4;
	v1 =	vadd.f32 v56, v1;
	(pc) =	sbr.rel @p0 .LBB2_14-.Ltmp7, $4  }
0x125: {  	v0 =	vadd.f32 v58, v0  }
0x126: {  	v63 =	vadd.f32 v60, v62;
	[tilespmem:s23+$0xA800] =	vst v1  }
0x127: {  	[tilespmem:s23+$0xA880] =	vst v0  }
0x128: {  	s21 =	sadd.s32 $0x80, s21;
	s20 =	sadd.s32 $0x1, s20;
	[tilespmem:s23+$0xA900] =	vst v63  }
0x129: {  	_ =	swait.ge [sflag:s15], $0x5000  }
0x12a: {  	s20 =	simm.s32 $0x0;
	[sflag:s15] =	ssyncset.done $0x0  }
0x12b: {  	s21 =	simm.s32 $0x0;
	s22 =	simm.s32 $0x0;
	[sflag:s15] =	ssyncadd.s32 $0xFFFFB000  }
.LBB2_18:
0x12c: {  	s23 =	sshll.u32 s21, $0x2;
	s24 =	sand.u32 $0x7, s20  }
0x12d: {  	s23 =	sand.u32 $0xFFFFF000, s23;
	s24 =	sshll.u32 s24, $0x6  }
0x12e: {  	s23 =	sor.u32 s24, s23  }
0x12f: {  	s23 =	sshrl.u32 s23, $0x2  }
0x130: {  	s25 =	sadd.s32 $0xA00, s23  }
0x131: {  	v0 =	vld [tilespmem:s25+$0xFFFFFE00]  }
0x132: {  	v1 =	vld [tilespmem:s25+$0xFFFFFE80]  }
0x133: {  	v2 =	vld [tilespmem:s25+$0xFFFFFF00]  }
0x134: {  	v3 =	vld [tilespmem:s25+$0x180]  }
0x135: {  	v6 =	vld [tilespmem:s25+$0xFFFFFF80]  }
0x136: {  	v4 =	vld [tilespmem:s25+$0x100]  }
0x137: {  	v7 =	vld [tilespmem:s25+$0x80];
	v5 =	vadd.s32 $0x3E8, v0  }
0x138: {  	v9 =	vld [tilespmem:s25+$0x0]  }
0x139: {  	v8 =	vadd.s32 $0x3E8, v1;
	v0 =	vld.idx.msk [tilespmem:v0+s2+$0x0], $0xffff  }
0x13a: {  	v10 =	vld.idx.msk [tilespmem:v1+s2+$0x0], $0xffff;
	v1 =	vadd.s32 $0x3E8, v2  }
0x13b: {  	v2 =	vld.idx.msk [tilespmem:v2+s2+$0x0], $0xffff  }
0x13c: {  	v11 =	vadd.s32 $0x3E8, v6;
	v5 =	vld.idx.msk [tilespmem:v5+s2+$0x0], $0xffff  }
0x13d: {  	v6 =	vld.idx.msk [tilespmem:v6+s2+$0x0], $0xffff  }
0x13e: {  	v13 =	vimm.f32 $0.0e+00;
	v8 =	vld.idx.msk [tilespmem:v8+s2+$0x0], $0xffff  }
0x13f: {  	v12 =	vadd.s32 $0x3E8, v9;
	v14 =	vshll.u32 v0, $0x10;
	v15 =	vld.idx.msk [tilespmem:v1+s2+$0x0], $0xffff;
	v0 =	vand.u32 $0xFFFF0000, v0  }
0x140: {  	v1 =	vld.idx.msk [tilespmem:v9+s2+$0x0], $0xffff;
	v9 =	vadd.s32 $0x3E8, v7;
	v14 =	vadd.f32 v14, v13;
	v16 =	vadd.f32 v0, v13  }
0x141: {  	v11 =	vld.idx.msk [tilespmem:v11+s2+$0x0], $0xffff;
	v0 =	vshll.u32 v10, $0x10;
	v10 =	vand.u32 $0xFFFF0000, v10;
	v5 =	vadd.f32 v5, v13  }
0x142: {  	v61 =	vadd.s32 $0x3E8, v4;
	v60 =	vadd.f32 v0, v14;
	v0 =	vld.idx.msk [tilespmem:v7+s2+$0x0], $0xffff;
	v7 =	vadd.f32 v10, v16  }
0x143: {  	v62 =	vand.u32 $0xFFFF0000, v2;
	v10 =	vshll.u32 v2, $0x10;
	v2 =	vld.idx.msk [tilespmem:v4+s2+$0x0], $0xffff;
	v8 =	vadd.f32 v8, v5  }
0x144: {  	v5 =	vld.idx.msk [tilespmem:v12+s2+$0x0], $0xffff;
	v10 =	vadd.f32 v10, v60;
	v12 =	vadd.f32 v62, v7;
	v7 =	vadd.s32 $0x3E8, v3  }
0x145: {  	v4 =	vld.idx.msk [tilespmem:v9+s2+$0x0], $0xffff;
	v63 =	vadd.f32 v15, v8;
	v8 =	vshll.u32 v6, $0x10  }
0x146: {  	s31 =	sshll.u32 s22, $0x4;
	v3 =	vld.idx.msk [tilespmem:v3+s2+$0x0], $0xffff;
	v6 =	vand.u32 $0xFFFF0000, v6;
	v8 =	vadd.f32 v8, v10  }
0x147: {  	s24 =	simm.s32 $0x0;
	s23 =	sand.u32 $0x70, s31;
	s25 =	sadd.s32 $0x1000, s25;
	v10 =	vadd.f32 v6, v12;
	v6 =	vld.idx.msk [tilespmem:v61+s2+$0x0], $0xffff;
	v9 =	vadd.f32 v11, v63;
	v11 =	vshll.u32 v1, $0x10  }
.LBB2_19:
0x148: {  	v12 =	vld [tilespmem:s25+$0xFFFFFE00];
	v8 =	vadd.f32 v11, v8;
	v1 =	vand.u32 $0xFFFF0000, v1  }
0x149: {  	s24 =	sadd.s32 $0x8, s24;
	v1 =	vadd.f32 v1, v10;
	v5 =	vadd.f32 v5, v9;
	v9 =	vshll.u32 v0, $0x10;
	v7 =	vld.idx.msk [tilespmem:v7+s2+$0x0], $0xffff  }
0x14a: {  	p0 =	slt.u32 s24, $0x20;
	v0 =	vand.u32 $0xFFFF0000, v0;
	v10 =	vld [tilespmem:s25+$0xFFFFFE80];
	v8 =	vadd.f32 v9, v8  }
0x14b: {  	v9 =	vld [tilespmem:s25+$0x180];
	v0 =	vadd.f32 v0, v1;
	v1 =	vadd.f32 v4, v5;
	v4 =	vshll.u32 v2, $0x10  }
0x14c: {  	v2 =	vand.u32 $0xFFFF0000, v2;
	v5 =	vld [tilespmem:s25+$0xFFFFFF00];
	v4 =	vadd.f32 v4, v8  }
0x14d: {  	v8 =	vld [tilespmem:s25+$0x100];
	v0 =	vadd.f32 v2, v0;
	v1 =	vadd.f32 v6, v1;
	v2 =	vshll.u32 v3, $0x10  }
0x14e: {  	v6 =	vadd.s32 $0x3E8, v12;
	v3 =	vand.u32 $0xFFFF0000, v3;
	v11 =	vld [tilespmem:s25+$0xFFFFFF80];
	v2 =	vadd.f32 v2, v4  }
0x14f: {  	v4 =	vld [tilespmem:s25+$0x80];
	v0 =	vadd.f32 v3, v0;
	v3 =	vadd.f32 v7, v1  }
0x150: {  	v1 =	vadd.s32 $0x3E8, v10;
	v7 =	vld [tilespmem:s25+$0x0]  }
0x151: {  	v12 =	vld.idx.msk [tilespmem:v12+s2+$0x0], $0xffff  }
0x152: {  	v13 =	vadd.s32 $0x3E8, v5;
	v10 =	vld.idx.msk [tilespmem:v10+s2+$0x0], $0xffff  }
0x153: {  	v6 =	vld.idx.msk [tilespmem:v6+s2+$0x0], $0xffff  }
0x154: {  	v14 =	vld.idx.msk [tilespmem:v5+s2+$0x0], $0xffff;
	v5 =	vadd.s32 $0x3E8, v11  }
0x155: {  	v15 =	vld.idx.msk [tilespmem:v1+s2+$0x0], $0xffff  }
0x156: {  	v16 =	vadd.s32 $0x3E8, v7;
	v11 =	vld.idx.msk [tilespmem:v11+s2+$0x0], $0xffff  }
0x157: {  	v1 =	vshll.u32 v12, $0x10;
	v13 =	vld.idx.msk [tilespmem:v13+s2+$0x0], $0xffff  }
0x158: {  	v17 =	vadd.s32 $0x3E8, v4;
	v12 =	vand.u32 $0xFFFF0000, v12;
	v2 =	vadd.f32 v1, v2;
	v1 =	vld.idx.msk [tilespmem:v7+s2+$0x0], $0xffff  }
0x159: {  	v7 =	vadd.f32 v12, v0;
	v3 =	vadd.f32 v6, v3;
	v0 =	vshll.u32 v10, $0x10;
	v6 =	vld.idx.msk [tilespmem:v5+s2+$0x0], $0xffff  }
0x15a: {  	v12 =	vadd.s32 $0x3E8, v8;
	v2 =	vadd.f32 v0, v2;
	v5 =	vand.u32 $0xFFFF0000, v10;
	v0 =	vld.idx.msk [tilespmem:v4+s2+$0x0], $0xffff  }
.Ltmp8:
0x15b: {  	v4 =	vadd.f32 v5, v7;
	v3 =	vadd.f32 v15, v3;
	v7 =	vshll.u32 v14, $0x10;
	v5 =	vld.idx.msk [tilespmem:v16+s2+$0x0], $0xffff;
	(pc) =	sbr.rel @p0 .LBB2_19-.Ltmp8, $4  }
0x15c: {  	v14 =	vand.u32 $0xFFFF0000, v14;
	v10 =	vadd.f32 v7, v2;
	v7 =	vadd.s32 $0x3E8, v9;
	v2 =	vld.idx.msk [tilespmem:v8+s2+$0x0], $0xffff  }
0x15d: {  	v14 =	vadd.f32 v14, v4;
	v13 =	vadd.f32 v13, v3;
	v3 =	vshll.u32 v11, $0x10;
	v4 =	vld.idx.msk [tilespmem:v17+s2+$0x0], $0xffff  }
0x15e: {  	v8 =	vadd.f32 v3, v10;
	v10 =	vand.u32 $0xFFFF0000, v11;
	v3 =	vld.idx.msk [tilespmem:v9+s2+$0x0], $0xffff  }
0x15f: {  	s25 =	sadd.s32 $0x1000, s25;
	v11 =	vshll.u32 v1, $0x10;
	v10 =	vadd.f32 v10, v14;
	v9 =	vadd.f32 v6, v13;
	v6 =	vld.idx.msk [tilespmem:v12+s2+$0x0], $0xffff  }
0x160: {  	_ =	sdelay $0x1  }
0x161: {  	v8 =	vadd.f32 v11, v8;
	v1 =	vand.u32 $0xFFFF0000, v1;
	s24 =	sshll.u32 s22, $0x6  }
0x162: {  	v53 =	vshll.u32 v0, $0x10;
	v1 =	vadd.f32 v1, v10;
	s24 =	sand.u32 $0x600, s24  }
0x163: {  	v7 =	vld.idx.msk [tilespmem:v7+s2+$0x0], $0xffff;
	v54 =	vand.u32 $0xFFFF0000, v0;
	v5 =	vadd.f32 v5, v9;
	v8 =	vadd.f32 v53, v8;
	s23 =	sor.u32 s23, s24  }
0x164: {  	v55 =	vshll.u32 v2, $0x10;
	v0 =	vadd.f32 v54, v1;
	v56 =	vld [tilespmem:s23+$0xA800]  }
0x165: {  	v57 =	vand.u32 $0xFFFF0000, v2;
	v4 =	vadd.f32 v4, v5;
	v58 =	vld [tilespmem:s23+$0xA880];
	v1 =	vadd.f32 v55, v8  }
0x166: {  	v59 =	vshll.u32 v3, $0x10;
	v60 =	vld [tilespmem:s23+$0xA900];
	v0 =	vadd.f32 v57, v0  }
0x167: {  	s22 =	sadd.s32 $0x1, s22;
	v61 =	vand.u32 $0xFFFF0000, v3;
	v4 =	vadd.f32 v6, v4;
	v1 =	vadd.f32 v59, v1  }
0x168: {  	p0 =	sne.s32 s22, $0x20;
	v0 =	vadd.f32 v61, v0  }
.Ltmp9:
0x169: {  	v62 =	vadd.f32 v7, v4;
	v1 =	vadd.f32 v56, v1;
	(pc) =	sbr.rel @p0 .LBB2_18-.Ltmp9, $4  }
0x16a: {  	v0 =	vadd.f32 v58, v0  }
0x16b: {  	v63 =	vadd.f32 v60, v62;
	[tilespmem:s23+$0xA800] =	vst v1  }
0x16c: {  	[tilespmem:s23+$0xA880] =	vst v0  }
0x16d: {  	s21 =	sadd.s32 $0x80, s21;
	s20 =	sadd.s32 $0x1, s20;
	[tilespmem:s23+$0xA900] =	vst v63  }
0x16e: {  	s19 =	sadd.s32 $0x1, s19  }
0x16f: {  	p0 =	sne.s32 s19, s10  }
.Ltmp10:
0x170: {  	_ = 	snop;
	(pc) =	sbr.rel @p0 .LBB2_1-.Ltmp10, $4  }
0x171: {  	[hbm4b:s9+s2] =	stream.linear.scatter [tilespmem:s18], [sflag:$0x3], $0x800, $0x38;
	[tilespmem:$0xB000] =	vst v63  }
0x172: {  	_ =	swait.ge [sflag:s11], $0x800  }
0x173: {  	[sflag:s11] =	ssyncset.done $0x0  }
0x174: {  	[sflag:s11] =	ssyncadd.s32 $0xFFFFF800  }
0x175: {  	_ =	sfence.sel $0x180000  }
0x176: {  	[bflag:$0x0] =	sbarrier.arrive $0xFFFF  }
0x177: {  	p0 =	sne.s32 s1, $0x0;
	_ =	strace $0x90000047  }
0x178: {  	s0 =	sadd.s32 @!p0 $0x100000, s0;
	[bflag:$0x2] =	sbarrier.arrive $0xFFFF  }
0x179: {  	[sflag:s0] =	ssyncadd.tile.s32 @!p0 $0x1;
	_ =	shalt  }
.Lfunc_end2:
_tile_overlayer_lowered:
.L_overlay_start_2:
0x17a: {  	(tag) =	ssettag $0x2  }
0x17b: {  	s0 =	rddreg [dreg:$0x0];
	s2 =	stileid.u32  }
0x17c: {  	s1 =	rddreg [dreg:$0x1];
	p0 =	sne.s32 s2, $0x0  }
0x17d: {  	s3 =	rddreg [dreg:$0x2];
	[bflag:$0x3] =	sbarrier.arrive $0xFFFF;
	s2 =	simm.s32 @!p0 $0x1C03  }
0x17e: {  	[timem:s3], [sflag:s2] =	dma.local @!p0 [hbm:s0], s1  }
0x17f: {  	s0 =	simm.s32 @!p0 $0x3  }
0x180: {  	_ =	swait.ge @!p0 [sflag:s0], s1  }
0x181: {  	s1 =	ssub.s32 @!p0 $0x0, s1;
	[sflag:s0] =	ssyncset.done @!p0 $0x0  }
0x182: {  	[sflag:s0] =	ssyncadd.s32 @!p0 s1  }
0x183: {  	[bflag:$0x3] =	sbarrier.arrive $0xFFFF  }
0x184: {  	_ =	shalt  }

</sc_bundles>
